<compile_context>
chip_gen: v7x
topology: tpu7x:2x2x1
jax: 0.10.2.dev20260603
libtpu: 0.0.44.dev20260713+nightly
codegen_flags: <defaults>
</compile_context>

<pallas_src>
import functools

import jax
import jax.numpy as jnp
from jax import lax
from jax.experimental import pallas as pl
from jax.experimental.pallas import tpu as pltpu
from jax.experimental.pallas import tpu_sc as plsc

EMBED = 128
BATCH = 4
SEQ = 8192
N_IDX = BATCH * SEQ
NW = 32
B_PER_W = N_IDX // NW
W_PER_ROW = SEQ // B_PER_W
CHUNK = 128
N_CHUNKS = B_PER_W // CHUNK
DEPTH = 3
HBM_PREFIX = 2
TABLE_ROWS = 8192
STAGE_ROWS = TABLE_ROWS // 16


@functools.partial(
    pl.kernel,
    out_type=jax.ShapeDtypeStruct((BATCH, SEQ, EMBED), jnp.float32),
    mesh=plsc.VectorSubcoreMesh(core_axis_name="c", subcore_axis_name="s"),
    scratch_types=[
        pltpu.VMEM((B_PER_W,), jnp.int32),
        pltpu.VMEM((DEPTH, CHUNK, EMBED), jnp.float32),
        pltpu.VMEM_SHARED((TABLE_ROWS, EMBED), jnp.float32),
        pltpu.SemaphoreType.DMA,
        pltpu.SemaphoreType.DMA,
        pltpu.SemaphoreType.DMA,
    ],
)
def _gather_kernel(table_hbm, idx_hbm, out_hbm, idx_v, rows_v, table_sh, sem_g, sem_s, sem_t):
    info = plsc.get_sparse_core_info()
    wid = lax.axis_index("s") * info.num_cores + lax.axis_index("c")
    sid = lax.axis_index("s")
    row = wid // W_PER_ROW
    col = (wid % W_PER_ROW) * B_PER_W

    stage = pltpu.async_copy(
        table_hbm.at[pl.ds(sid * STAGE_ROWS, STAGE_ROWS)],
        table_sh.at[pl.ds(sid * STAGE_ROWS, STAGE_ROWS)],
        sem_t,
    )

    pltpu.sync_copy(idx_hbm.at[row, pl.ds(col, B_PER_W)], idx_v)

    def gather(j):
        src = table_hbm if j < HBM_PREFIX else table_sh
        return pltpu.async_copy(
            src.at[idx_v.at[pl.ds(j * CHUNK, CHUNK)]],
            rows_v.at[j % DEPTH],
            sem_g,
        )

    def store(j):
        return pltpu.async_copy(
            rows_v.at[j % DEPTH],
            out_hbm.at[row, pl.ds(col + j * CHUNK, CHUNK)],
            sem_s,
        )

    g = [None] * N_CHUNKS
    s = [None] * N_CHUNKS
    for j in range(min(HBM_PREFIX, N_CHUNKS)):
        g[j] = gather(j)
    stage.wait()
    plsc.subcore_barrier()
    for j in range(min(HBM_PREFIX, N_CHUNKS), min(DEPTH, N_CHUNKS)):
        g[j] = gather(j)
    for j in range(N_CHUNKS):
        g[j].wait()
        s[j] = store(j)
        k = j + 1 - DEPTH
        if k >= 0 and k + DEPTH < N_CHUNKS:
            s[k].wait()
            g[k + DEPTH] = gather(k + DEPTH)
    for j in range(max(0, N_CHUNKS - DEPTH), N_CHUNKS):
        s[j].wait()


def kernel(time, pe):
    return _gather_kernel(pe, time.astype(jnp.int32))

# --- scband reference (transcript-rebuilt; emitter-appended) ---
"""Pipeline reference for scband-sinusoidal-positional-embedding-28200755266129 (READ-ONLY COPY).

The authoritative reference and input builder live on the scoring server;
editing this copy changes nothing except your own understanding.
"""

import jax, jax.numpy as jnp
import numpy as np
import math

EMBEDDING_DIM = 128
MAX_LENGTH = 8192

def _get_positional_encodings():
    pe = np.zeros((MAX_LENGTH, EMBEDDING_DIM), dtype=np.float32)
    position = np.arange(0, MAX_LENGTH, dtype=np.float32)[:, None]
    div_term = np.exp(np.arange(0, EMBEDDING_DIM, 2, dtype=np.float32) * (-math.log(10000.0) / EMBEDDING_DIM))
    pe[:, 0::2] = np.sin(position * div_term)
    pe[:, 1::2] = np.cos(position * div_term)
    return jnp.asarray(pe)

def setup_inputs(seed: int = 0) -> dict:
    key = jax.random.key(seed)
    time = jax.random.randint(key, (4, 8192), 0, MAX_LENGTH, dtype=jnp.int64 if jax.config.jax_enable_x64 else jnp.int32)
    pe = _get_positional_encodings()
    return {"time": time, "pe": pe}

def reference(time, pe):
    # forward: self.positional_encodings[time, :]
    return jnp.take(pe, time, axis=0)

if __name__ == "__main__":
    import jax
    _d = setup_inputs()
    print(jax.jit(kernel)(*tuple(_d.values())))

</pallas_src>

<mosaic_0001>
#map = affine_map<(d0, d1) -> (0, 0)>
#map1 = affine_map<(d0, d1) -> (0, 0, 0)>
module attributes {stable_mosaic.version = 14 : i64} {
  func.func @_gather_kernel(%arg0: i32, %arg1: i32, %arg2: memref<8192x128xf32, #tpu.memory_space<hbm>>, %arg3: memref<4x8192xi32, #tpu.memory_space<hbm>>, %arg4: memref<4x8192x128xf32, #tpu.memory_space<hbm>>, %arg5: memref<1024xi32, #tpu.memory_space<vmem>>, %arg6: memref<3x128x128xf32, #tpu.memory_space<vmem>>, %arg7: memref<8192x128xf32, #tpu.memory_space<vmem_shared>>, %arg8: memref<!tpu.dma_semaphore, #tpu.memory_space<semaphore_mem>>, %arg9: memref<!tpu.dma_semaphore, #tpu.memory_space<semaphore_mem>>, %arg10: memref<!tpu.dma_semaphore, #tpu.memory_space<semaphore_mem>>) attributes {dimension_semantics = [#tpu.dimension_semantics<core_parallel>, #tpu.dimension_semantics<subcore_parallel>], iteration_bounds = array<i64: 2, 16>, scalar_prefetch = 0 : i64, scratch_operands = 6 : i64, tpu.core_type = #tpu.core_type<sc_vector_subcore>, window_params = [{transform_indices = #map}, {transform_indices = #map}, {transform_indices = #map1}]} {
    %mul3A = arith.constant 2 : i32
    %mul3A_0 = arith.muli %arg1, %mul3A : i32
    %add3A = arith.addi %mul3A_0, %arg0 : i32
    %jit3A = arith.constant 8 : i32
    %div3A = arith.divsi %add3A, %jit3A : i32
    %sign3A = arith.constant 0 : i32
    %sign3A_1 = arith.cmpi sgt, %add3A, %sign3A : i32
    %sign3A_2 = arith.extui %sign3A_1 : i1 to i32
    %sign3A_3 = arith.constant 0 : i32
    %sign3A_4 = arith.cmpi slt, %add3A, %sign3A_3 : i32
    %sign3A_5 = arith.extui %sign3A_4 : i1 to i32
    %sign3A_6 = arith.subi %sign3A_2, %sign3A_5 : i32
    %sign3A_7 = arith.constant 0 : i32
    %sign3A_8 = arith.cmpi sgt, %jit3A, %sign3A_7 : i32
    %sign3A_9 = arith.extui %sign3A_8 : i1 to i32
    %sign3A_10 = arith.constant 0 : i32
    %sign3A_11 = arith.cmpi slt, %jit3A, %sign3A_10 : i32
    %sign3A_12 = arith.extui %sign3A_11 : i1 to i32
    %sign3A_13 = arith.subi %sign3A_9, %sign3A_12 : i32
    %ne3A = arith.cmpi ne, %sign3A_6, %sign3A_13 : i32
    %rem3A = arith.remsi %add3A, %jit3A : i32
    %ne3A_14 = arith.constant 0 : i32
    %ne3A_15 = arith.cmpi ne, %rem3A, %ne3A_14 : i32
    %and3A = arith.andi %ne3A, %ne3A_15 : i1
    %sub3A = arith.constant 1 : i32
    %sub3A_16 = arith.subi %div3A, %sub3A : i32
    %select_n3A = arith.select %and3A, %sub3A_16, %div3A : i32
    %jit3A_17 = arith.constant 8 : i32
    %eq3A = arith.constant 0 : i32
    %eq3A_18 = arith.cmpi eq, %jit3A_17, %eq3A : i32
    %jit3A_19 = arith.constant 1 : i32
    %select_n3A_20 = arith.select %eq3A_18, %jit3A_19, %jit3A_17 : i32
    %rem3A_21 = arith.remsi %add3A, %select_n3A_20 : i32
    %ne3A_22 = arith.constant 0 : i32
    %ne3A_23 = arith.cmpi ne, %rem3A_21, %ne3A_22 : i32
    %lt3A = arith.constant 0 : i32
    %lt3A_24 = arith.cmpi slt, %rem3A_21, %lt3A : i32
    %lt3A_25 = arith.constant 0 : i32
    %lt3A_26 = arith.cmpi slt, %select_n3A_20, %lt3A_25 : i32
    %ne3A_27 = arith.xori %lt3A_24, %lt3A_26 : i1
    %and3A_28 = arith.andi %ne3A_27, %ne3A_23 : i1
    %add3A_29 = arith.addi %rem3A_21, %select_n3A_20 : i32
    %select_n3A_30 = arith.select %and3A_28, %add3A_29, %rem3A_21 : i32
    %mul3A_31 = arith.constant 1024 : i32
    %mul3A_32 = arith.muli %select_n3A_30, %mul3A_31 : i32
    %mul3A_33 = arith.constant 512 : i32
    %mul3A_34 = arith.muli %arg1, %mul3A_33 : i32
    %mul3A_35 = arith.constant 512 : i32
    %mul3A_36 = arith.muli %arg1, %mul3A_35 : i32
    %dma_start3A = arith.constant 0 : i32
    %dma_start3A_37 = tpu.memref_slice %arg7[%mul3A_36, %dma_start3A] : memref<8192x128xf32, #tpu.memory_space<vmem_shared>> -> memref<512x128xf32, #tpu.memory_space<vmem_shared>>
    %dma_start3A_38 = arith.constant 0 : i32
    %dma_start3A_39 = tpu.memref_slice %arg2[%mul3A_34, %dma_start3A_38] : memref<8192x128xf32, #tpu.memory_space<hbm>> -> memref<512x128xf32, #tpu.memory_space<hbm>>
    tpu.enqueue_dma source(%dma_start3A_39 : memref<512x128xf32, #tpu.memory_space<hbm>>) target(%dma_start3A_37 : memref<512x128xf32, #tpu.memory_space<vmem_shared>>) target_semaphore(%arg10 : memref<!tpu.dma_semaphore, #tpu.memory_space<semaphore_mem>>)
    "tpu.region"() ({
      %run_scoped3A = tpu.sem_alloc : memref<!tpu.dma_semaphore, #tpu.memory_space<semaphore_mem>>
      %dma_start3A_459 = tpu.memref_slice %arg3[%select_n3A, %mul3A_32] : memref<4x8192xi32, #tpu.memory_space<hbm>> -> memref<1x1024xi32, #tpu.memory_space<hbm>>
      %dma_start3A_460 = tpu.memref_squeeze %dma_start3A_459 : memref<1x1024xi32, #tpu.memory_space<hbm>> -> memref<1024xi32, #tpu.memory_space<hbm>>
      %dma_start3A_461 = tpu.memref_slice %arg3[%select_n3A, %mul3A_32] : memref<4x8192xi32, #tpu.memory_space<hbm>> -> memref<1x1024xi32, #tpu.memory_space<hbm>>
      %dma_start3A_462 = tpu.memref_squeeze %dma_start3A_461 : memref<1x1024xi32, #tpu.memory_space<hbm>> -> memref<1024xi32, #tpu.memory_space<hbm>>
      tpu.enqueue_dma source(%dma_start3A_462 : memref<1024xi32, #tpu.memory_space<hbm>>) target(%arg5 : memref<1024xi32, #tpu.memory_space<vmem>>) target_semaphore(%run_scoped3A : memref<!tpu.dma_semaphore, #tpu.memory_space<semaphore_mem>>)
      %dma_wait3A_463 = tpu.memref_slice %arg3[%select_n3A, %mul3A_32] : memref<4x8192xi32, #tpu.memory_space<hbm>> -> memref<1x1024xi32, #tpu.memory_space<hbm>>
      %dma_wait3A_464 = tpu.memref_squeeze %dma_wait3A_463 : memref<1x1024xi32, #tpu.memory_space<hbm>> -> memref<1024xi32, #tpu.memory_space<hbm>>
      %dma_wait3A_465 = tpu.memref_slice %arg3[%select_n3A, %mul3A_32] : memref<4x8192xi32, #tpu.memory_space<hbm>> -> memref<1x1024xi32, #tpu.memory_space<hbm>>
      %dma_wait3A_466 = tpu.memref_squeeze %dma_wait3A_465 : memref<1x1024xi32, #tpu.memory_space<hbm>> -> memref<1024xi32, #tpu.memory_space<hbm>>
      tpu.wait_dma2 semaphore(%run_scoped3A : memref<!tpu.dma_semaphore, #tpu.memory_space<semaphore_mem>>) src(%dma_wait3A_466 : memref<1024xi32, #tpu.memory_space<hbm>>) dst(%arg5 : memref<1024xi32, #tpu.memory_space<vmem>>)
      tpu.yield
    }) : () -> ()
    %dma_start3A_40 = arith.constant 0 : i32
    %dma_start3A_41 = arith.constant 0 : i32
    %dma_start3A_42 = arith.constant 0 : i32
    %dma_start3A_43 = tpu.memref_slice %arg6[%dma_start3A_40, %dma_start3A_41, %dma_start3A_42] : memref<3x128x128xf32, #tpu.memory_space<vmem>> -> memref<1x128x128xf32, #tpu.memory_space<vmem>>
    %dma_start3A_44 = tpu.memref_squeeze %dma_start3A_43 : memref<1x128x128xf32, #tpu.memory_space<vmem>> -> memref<128x128xf32, #tpu.memory_space<vmem>>
    %dma_start3A_45 = arith.constant 0 : i32
    %dma_start3A_46 = tpu.memref_slice %arg5[%dma_start3A_45] : memref<1024xi32, #tpu.memory_space<vmem>> -> memref<128xi32, #tpu.memory_space<vmem>>
    %dma_start3A_47 = arith.constant 0 : i32
    %dma_start3A_48 = arith.constant 0 : i32
    %dma_start3A_49 = tpu.memref_slice %arg2[%dma_start3A_47, %dma_start3A_48] : memref<8192x128xf32, #tpu.memory_space<hbm>> -> memref<8192x128xf32, #tpu.memory_space<hbm>>
    tpu.enqueue_indirect_dma source(%dma_start3A_49 : memref<8192x128xf32, #tpu.memory_space<hbm>>) target(%dma_start3A_44 : memref<128x128xf32, #tpu.memory_space<vmem>>) offsets(%dma_start3A_46 : memref<128xi32, #tpu.memory_space<vmem>>) semaphore(%arg8 : memref<!tpu.dma_semaphore, #tpu.memory_space<semaphore_mem>>)
    %dma_start3A_50 = arith.constant 1 : i32
    %dma_start3A_51 = arith.constant 0 : i32
    %dma_start3A_52 = arith.constant 0 : i32
    %dma_start3A_53 = tpu.memref_slice %arg6[%dma_start3A_50, %dma_start3A_51, %dma_start3A_52] : memref<3x128x128xf32, #tpu.memory_space<vmem>> -> memref<1x128x128xf32, #tpu.memory_space<vmem>>
    %dma_start3A_54 = tpu.memref_squeeze %dma_start3A_53 : memref<1x128x128xf32, #tpu.memory_space<vmem>> -> memref<128x128xf32, #tpu.memory_space<vmem>>
    %dma_start3A_55 = arith.constant 128 : i32
    %dma_start3A_56 = tpu.memref_slice %arg5[%dma_start3A_55] : memref<1024xi32, #tpu.memory_space<vmem>> -> memref<128xi32, #tpu.memory_space<vmem>>
    %dma_start3A_57 = arith.constant 0 : i32
    %dma_start3A_58 = arith.constant 0 : i32
    %dma_start3A_59 = tpu.memref_slice %arg2[%dma_start3A_57, %dma_start3A_58] : memref<8192x128xf32, #tpu.memory_space<hbm>> -> memref<8192x128xf32, #tpu.memory_space<hbm>>
    tpu.enqueue_indirect_dma source(%dma_start3A_59 : memref<8192x128xf32, #tpu.memory_space<hbm>>) target(%dma_start3A_54 : memref<128x128xf32, #tpu.memory_space<vmem>>) offsets(%dma_start3A_56 : memref<128xi32, #tpu.memory_space<vmem>>) semaphore(%arg8 : memref<!tpu.dma_semaphore, #tpu.memory_space<semaphore_mem>>)
    %dma_wait3A = arith.constant 0 : i32
    %dma_wait3A_60 = tpu.memref_slice %arg7[%mul3A_36, %dma_wait3A] : memref<8192x128xf32, #tpu.memory_space<vmem_shared>> -> memref<512x128xf32, #tpu.memory_space<vmem_shared>>
    %dma_wait3A_61 = arith.constant 0 : i32
    %dma_wait3A_62 = tpu.memref_slice %arg2[%mul3A_34, %dma_wait3A_61] : memref<8192x128xf32, #tpu.memory_space<hbm>> -> memref<512x128xf32, #tpu.memory_space<hbm>>
    tpu.wait_dma2 semaphore(%arg10 : memref<!tpu.dma_semaphore, #tpu.memory_space<semaphore_mem>>) src(%dma_wait3A_62 : memref<512x128xf32, #tpu.memory_space<hbm>>) dst(%dma_wait3A_60 : memref<512x128xf32, #tpu.memory_space<vmem_shared>>)
    %barrier3A = arith.constant 0 : index
    tpu.barrier barrier_id(%barrier3A)
    %dma_start3A_63 = arith.constant 2 : i32
    %dma_start3A_64 = arith.constant 0 : i32
    %dma_start3A_65 = arith.constant 0 : i32
    %dma_start3A_66 = tpu.memref_slice %arg6[%dma_start3A_63, %dma_start3A_64, %dma_start3A_65] : memref<3x128x128xf32, #tpu.memory_space<vmem>> -> memref<1x128x128xf32, #tpu.memory_space<vmem>>
    %dma_start3A_67 = tpu.memref_squeeze %dma_start3A_66 : memref<1x128x128xf32, #tpu.memory_space<vmem>> -> memref<128x128xf32, #tpu.memory_space<vmem>>
    %dma_start3A_68 = arith.constant 256 : i32
    %dma_start3A_69 = tpu.memref_slice %arg5[%dma_start3A_68] : memref<1024xi32, #tpu.memory_space<vmem>> -> memref<128xi32, #tpu.memory_space<vmem>>
    %dma_start3A_70 = arith.constant 0 : i32
    %dma_start3A_71 = arith.constant 0 : i32
    %dma_start3A_72 = tpu.memref_slice %arg7[%dma_start3A_70, %dma_start3A_71] : memref<8192x128xf32, #tpu.memory_space<vmem_shared>> -> memref<8192x128xf32, #tpu.memory_space<vmem_shared>>
    tpu.enqueue_indirect_dma source(%dma_start3A_72 : memref<8192x128xf32, #tpu.memory_space<vmem_shared>>) target(%dma_start3A_67 : memref<128x128xf32, #tpu.memory_space<vmem>>) offsets(%dma_start3A_69 : memref<128xi32, #tpu.memory_space<vmem>>) semaphore(%arg8 : memref<!tpu.dma_semaphore, #tpu.memory_space<semaphore_mem>>)
    %dma_wait3A_73 = arith.constant 0 : i32
    %dma_wait3A_74 = arith.constant 0 : i32
    %dma_wait3A_75 = arith.constant 0 : i32
    %dma_wait3A_76 = tpu.memref_slice %arg6[%dma_wait3A_73, %dma_wait3A_74, %dma_wait3A_75] : memref<3x128x128xf32, #tpu.memory_space<vmem>> -> memref<1x128x128xf32, #tpu.memory_space<vmem>>
    %dma_wait3A_77 = tpu.memref_squeeze %dma_wait3A_76 : memref<1x128x128xf32, #tpu.memory_space<vmem>> -> memref<128x128xf32, #tpu.memory_space<vmem>>
    %dma_wait3A_78 = arith.constant 0 : i32
    %dma_wait3A_79 = tpu.memref_slice %arg5[%dma_wait3A_78] : memref<1024xi32, #tpu.memory_space<vmem>> -> memref<128xi32, #tpu.memory_space<vmem>>
    %dma_wait3A_80 = arith.constant 0 : i32
    %dma_wait3A_81 = arith.constant 0 : i32
    %dma_wait3A_82 = tpu.memref_slice %arg2[%dma_wait3A_80, %dma_wait3A_81] : memref<8192x128xf32, #tpu.memory_space<hbm>> -> memref<8192x128xf32, #tpu.memory_space<hbm>>
    tpu.wait_indirect_dma semaphore(%arg8 : memref<!tpu.dma_semaphore, #tpu.memory_space<semaphore_mem>>) src(%dma_wait3A_82 : memref<8192x128xf32, #tpu.memory_space<hbm>>) dst(%dma_wait3A_77 : memref<128x128xf32, #tpu.memory_space<vmem>>)
    %add3A_83 = arith.constant 0 : i32
    %add3A_84 = arith.addi %mul3A_32, %add3A_83 : i32
    %dma_start3A_85 = arith.constant 0 : i32
    %dma_start3A_86 = arith.constant 0 : i32
    %dma_start3A_87 = arith.constant 0 : i32
    %dma_start3A_88 = tpu.memref_slice %arg6[%dma_start3A_85, %dma_start3A_86, %dma_start3A_87] : memref<3x128x128xf32, #tpu.memory_space<vmem>> -> memref<1x128x128xf32, #tpu.memory_space<vmem>>
    %dma_start3A_89 = tpu.memref_squeeze %dma_start3A_88 : memref<1x128x128xf32, #tpu.memory_space<vmem>> -> memref<128x128xf32, #tpu.memory_space<vmem>>
    %dma_start3A_90 = arith.constant 0 : i32
    %dma_start3A_91 = tpu.memref_slice %arg4[%select_n3A, %add3A_84, %dma_start3A_90] : memref<4x8192x128xf32, #tpu.memory_space<hbm>> -> memref<1x128x128xf32, #tpu.memory_space<hbm>>
    %dma_start3A_92 = tpu.memref_squeeze %dma_start3A_91 : memref<1x128x128xf32, #tpu.memory_space<hbm>> -> memref<128x128xf32, #tpu.memory_space<hbm>>
    %dma_start3A_93 = arith.constant 0 : i32
    %dma_start3A_94 = tpu.memref_slice %arg4[%select_n3A, %add3A_84, %dma_start3A_93] : memref<4x8192x128xf32, #tpu.memory_space<hbm>> -> memref<1x128x128xf32, #tpu.memory_space<hbm>>
    %dma_start3A_95 = tpu.memref_squeeze %dma_start3A_94 : memref<1x128x128xf32, #tpu.memory_space<hbm>> -> memref<128x128xf32, #tpu.memory_space<hbm>>
    %dma_start3A_96 = arith.constant 0 : i32
    %dma_start3A_97 = arith.constant 0 : i32
    %dma_start3A_98 = tpu.memref_slice %arg6[%dma_start3A_85, %dma_start3A_96, %dma_start3A_97] : memref<3x128x128xf32, #tpu.memory_space<vmem>> -> memref<1x128x128xf32, #tpu.memory_space<vmem>>
    %dma_start3A_99 = tpu.memref_squeeze %dma_start3A_98 : memref<1x128x128xf32, #tpu.memory_space<vmem>> -> memref<128x128xf32, #tpu.memory_space<vmem>>
    tpu.enqueue_dma source(%dma_start3A_99 : memref<128x128xf32, #tpu.memory_space<vmem>>) target(%dma_start3A_95 : memref<128x128xf32, #tpu.memory_space<hbm>>) target_semaphore(%arg9 : memref<!tpu.dma_semaphore, #tpu.memory_space<semaphore_mem>>)
    %dma_wait3A_100 = arith.constant 1 : i32
    %dma_wait3A_101 = arith.constant 0 : i32
    %dma_wait3A_102 = arith.constant 0 : i32
    %dma_wait3A_103 = tpu.memref_slice %arg6[%dma_wait3A_100, %dma_wait3A_101, %dma_wait3A_102] : memref<3x128x128xf32, #tpu.memory_space<vmem>> -> memref<1x128x128xf32, #tpu.memory_space<vmem>>
    %dma_wait3A_104 = tpu.memref_squeeze %dma_wait3A_103 : memref<1x128x128xf32, #tpu.memory_space<vmem>> -> memref<128x128xf32, #tpu.memory_space<vmem>>
    %dma_wait3A_105 = arith.constant 128 : i32
    %dma_wait3A_106 = tpu.memref_slice %arg5[%dma_wait3A_105] : memref<1024xi32, #tpu.memory_space<vmem>> -> memref<128xi32, #tpu.memory_space<vmem>>
    %dma_wait3A_107 = arith.constant 0 : i32
    %dma_wait3A_108 = arith.constant 0 : i32
    %dma_wait3A_109 = tpu.memref_slice %arg2[%dma_wait3A_107, %dma_wait3A_108] : memref<8192x128xf32, #tpu.memory_space<hbm>> -> memref<8192x128xf32, #tpu.memory_space<hbm>>
    tpu.wait_indirect_dma semaphore(%arg8 : memref<!tpu.dma_semaphore, #tpu.memory_space<semaphore_mem>>) src(%dma_wait3A_109 : memref<8192x128xf32, #tpu.memory_space<hbm>>) dst(%dma_wait3A_104 : memref<128x128xf32, #tpu.memory_space<vmem>>)
    %add3A_110 = arith.constant 128 : i32
    %add3A_111 = arith.addi %mul3A_32, %add3A_110 : i32
    %dma_start3A_112 = arith.constant 1 : i32
    %dma_start3A_113 = arith.constant 0 : i32
    %dma_start3A_114 = arith.constant 0 : i32
    %dma_start3A_115 = tpu.memref_slice %arg6[%dma_start3A_112, %dma_start3A_113, %dma_start3A_114] : memref<3x128x128xf32, #tpu.memory_space<vmem>> -> memref<1x128x128xf32, #tpu.memory_space<vmem>>
    %dma_start3A_116 = tpu.memref_squeeze %dma_start3A_115 : memref<1x128x128xf32, #tpu.memory_space<vmem>> -> memref<128x128xf32, #tpu.memory_space<vmem>>
    %dma_start3A_117 = arith.constant 0 : i32
    %dma_start3A_118 = tpu.memref_slice %arg4[%select_n3A, %add3A_111, %dma_start3A_117] : memref<4x8192x128xf32, #tpu.memory_space<hbm>> -> memref<1x128x128xf32, #tpu.memory_space<hbm>>
    %dma_start3A_119 = tpu.memref_squeeze %dma_start3A_118 : memref<1x128x128xf32, #tpu.memory_space<hbm>> -> memref<128x128xf32, #tpu.memory_space<hbm>>
    %dma_start3A_120 = arith.constant 0 : i32
    %dma_start3A_121 = tpu.memref_slice %arg4[%select_n3A, %add3A_111, %dma_start3A_120] : memref<4x8192x128xf32, #tpu.memory_space<hbm>> -> memref<1x128x128xf32, #tpu.memory_space<hbm>>
    %dma_start3A_122 = tpu.memref_squeeze %dma_start3A_121 : memref<1x128x128xf32, #tpu.memory_space<hbm>> -> memref<128x128xf32, #tpu.memory_space<hbm>>
    %dma_start3A_123 = arith.constant 0 : i32
    %dma_start3A_124 = arith.constant 0 : i32
    %dma_start3A_125 = tpu.memref_slice %arg6[%dma_start3A_112, %dma_start3A_123, %dma_start3A_124] : memref<3x128x128xf32, #tpu.memory_space<vmem>> -> memref<1x128x128xf32, #tpu.memory_space<vmem>>
    %dma_start3A_126 = tpu.memref_squeeze %dma_start3A_125 : memref<1x128x128xf32, #tpu.memory_space<vmem>> -> memref<128x128xf32, #tpu.memory_space<vmem>>
    tpu.enqueue_dma source(%dma_start3A_126 : memref<128x128xf32, #tpu.memory_space<vmem>>) target(%dma_start3A_122 : memref<128x128xf32, #tpu.memory_space<hbm>>) target_semaphore(%arg9 : memref<!tpu.dma_semaphore, #tpu.memory_space<semaphore_mem>>)
    %dma_wait3A_127 = arith.constant 2 : i32
    %dma_wait3A_128 = arith.constant 0 : i32
    %dma_wait3A_129 = arith.constant 0 : i32
    %dma_wait3A_130 = tpu.memref_slice %arg6[%dma_wait3A_127, %dma_wait3A_128, %dma_wait3A_129] : memref<3x128x128xf32, #tpu.memory_space<vmem>> -> memref<1x128x128xf32, #tpu.memory_space<vmem>>
    %dma_wait3A_131 = tpu.memref_squeeze %dma_wait3A_130 : memref<1x128x128xf32, #tpu.memory_space<vmem>> -> memref<128x128xf32, #tpu.memory_space<vmem>>
    %dma_wait3A_132 = arith.constant 256 : i32
    %dma_wait3A_133 = tpu.memref_slice %arg5[%dma_wait3A_132] : memref<1024xi32, #tpu.memory_space<vmem>> -> memref<128xi32, #tpu.memory_space<vmem>>
    %dma_wait3A_134 = arith.constant 0 : i32
    %dma_wait3A_135 = arith.constant 0 : i32
    %dma_wait3A_136 = tpu.memref_slice %arg7[%dma_wait3A_134, %dma_wait3A_135] : memref<8192x128xf32, #tpu.memory_space<vmem_shared>> -> memref<8192x128xf32, #tpu.memory_space<vmem_shared>>
    tpu.wait_indirect_dma semaphore(%arg8 : memref<!tpu.dma_semaphore, #tpu.memory_space<semaphore_mem>>) src(%dma_wait3A_136 : memref<8192x128xf32, #tpu.memory_space<vmem_shared>>) dst(%dma_wait3A_131 : memref<128x128xf32, #tpu.memory_space<vmem>>)
    %add3A_137 = arith.constant 256 : i32
    %add3A_138 = arith.addi %mul3A_32, %add3A_137 : i32
    %dma_start3A_139 = arith.constant 2 : i32
    %dma_start3A_140 = arith.constant 0 : i32
    %dma_start3A_141 = arith.constant 0 : i32
    %dma_start3A_142 = tpu.memref_slice %arg6[%dma_start3A_139, %dma_start3A_140, %dma_start3A_141] : memref<3x128x128xf32, #tpu.memory_space<vmem>> -> memref<1x128x128xf32, #tpu.memory_space<vmem>>
    %dma_start3A_143 = tpu.memref_squeeze %dma_start3A_142 : memref<1x128x128xf32, #tpu.memory_space<vmem>> -> memref<128x128xf32, #tpu.memory_space<vmem>>
    %dma_start3A_144 = arith.constant 0 : i32
    %dma_start3A_145 = tpu.memref_slice %arg4[%select_n3A, %add3A_138, %dma_start3A_144] : memref<4x8192x128xf32, #tpu.memory_space<hbm>> -> memref<1x128x128xf32, #tpu.memory_space<hbm>>
    %dma_start3A_146 = tpu.memref_squeeze %dma_start3A_145 : memref<1x128x128xf32, #tpu.memory_space<hbm>> -> memref<128x128xf32, #tpu.memory_space<hbm>>
    %dma_start3A_147 = arith.constant 0 : i32
    %dma_start3A_148 = tpu.memref_slice %arg4[%select_n3A, %add3A_138, %dma_start3A_147] : memref<4x8192x128xf32, #tpu.memory_space<hbm>> -> memref<1x128x128xf32, #tpu.memory_space<hbm>>
    %dma_start3A_149 = tpu.memref_squeeze %dma_start3A_148 : memref<1x128x128xf32, #tpu.memory_space<hbm>> -> memref<128x128xf32, #tpu.memory_space<hbm>>
    %dma_start3A_150 = arith.constant 0 : i32
    %dma_start3A_151 = arith.constant 0 : i32
    %dma_start3A_152 = tpu.memref_slice %arg6[%dma_start3A_139, %dma_start3A_150, %dma_start3A_151] : memref<3x128x128xf32, #tpu.memory_space<vmem>> -> memref<1x128x128xf32, #tpu.memory_space<vmem>>
    %dma_start3A_153 = tpu.memref_squeeze %dma_start3A_152 : memref<1x128x128xf32, #tpu.memory_space<vmem>> -> memref<128x128xf32, #tpu.memory_space<vmem>>
    tpu.enqueue_dma source(%dma_start3A_153 : memref<128x128xf32, #tpu.memory_space<vmem>>) target(%dma_start3A_149 : memref<128x128xf32, #tpu.memory_space<hbm>>) target_semaphore(%arg9 : memref<!tpu.dma_semaphore, #tpu.memory_space<semaphore_mem>>)
    %dma_wait3A_154 = arith.constant 0 : i32
    %dma_wait3A_155 = arith.constant 0 : i32
    %dma_wait3A_156 = arith.constant 0 : i32
    %dma_wait3A_157 = tpu.memref_slice %arg6[%dma_wait3A_154, %dma_wait3A_155, %dma_wait3A_156] : memref<3x128x128xf32, #tpu.memory_space<vmem>> -> memref<1x128x128xf32, #tpu.memory_space<vmem>>
    %dma_wait3A_158 = tpu.memref_squeeze %dma_wait3A_157 : memref<1x128x128xf32, #tpu.memory_space<vmem>> -> memref<128x128xf32, #tpu.memory_space<vmem>>
    %dma_wait3A_159 = arith.constant 0 : i32
    %dma_wait3A_160 = tpu.memref_slice %arg4[%select_n3A, %add3A_84, %dma_wait3A_159] : memref<4x8192x128xf32, #tpu.memory_space<hbm>> -> memref<1x128x128xf32, #tpu.memory_space<hbm>>
    %dma_wait3A_161 = tpu.memref_squeeze %dma_wait3A_160 : memref<1x128x128xf32, #tpu.memory_space<hbm>> -> memref<128x128xf32, #tpu.memory_space<hbm>>
    %dma_wait3A_162 = arith.constant 0 : i32
    %dma_wait3A_163 = tpu.memref_slice %arg4[%select_n3A, %add3A_84, %dma_wait3A_162] : memref<4x8192x128xf32, #tpu.memory_space<hbm>> -> memref<1x128x128xf32, #tpu.memory_space<hbm>>
    %dma_wait3A_164 = tpu.memref_squeeze %dma_wait3A_163 : memref<1x128x128xf32, #tpu.memory_space<hbm>> -> memref<128x128xf32, #tpu.memory_space<hbm>>
    %dma_wait3A_165 = arith.constant 0 : i32
    %dma_wait3A_166 = arith.constant 0 : i32
    %dma_wait3A_167 = tpu.memref_slice %arg6[%dma_wait3A_154, %dma_wait3A_165, %dma_wait3A_166] : memref<3x128x128xf32, #tpu.memory_space<vmem>> -> memref<1x128x128xf32, #tpu.memory_space<vmem>>
    %dma_wait3A_168 = tpu.memref_squeeze %dma_wait3A_167 : memref<1x128x128xf32, #tpu.memory_space<vmem>> -> memref<128x128xf32, #tpu.memory_space<vmem>>
    tpu.wait_dma2 semaphore(%arg9 : memref<!tpu.dma_semaphore, #tpu.memory_space<semaphore_mem>>) src(%dma_wait3A_168 : memref<128x128xf32, #tpu.memory_space<vmem>>) dst(%dma_wait3A_164 : memref<128x128xf32, #tpu.memory_space<hbm>>)
    %dma_start3A_169 = arith.constant 0 : i32
    %dma_start3A_170 = arith.constant 0 : i32
    %dma_start3A_171 = arith.constant 0 : i32
    %dma_start3A_172 = tpu.memref_slice %arg6[%dma_start3A_169, %dma_start3A_170, %dma_start3A_171] : memref<3x128x128xf32, #tpu.memory_space<vmem>> -> memref<1x128x128xf32, #tpu.memory_space<vmem>>
    %dma_start3A_173 = tpu.memref_squeeze %dma_start3A_172 : memref<1x128x128xf32, #tpu.memory_space<vmem>> -> memref<128x128xf32, #tpu.memory_space<vmem>>
    %dma_start3A_174 = arith.constant 384 : i32
    %dma_start3A_175 = tpu.memref_slice %arg5[%dma_start3A_174] : memref<1024xi32, #tpu.memory_space<vmem>> -> memref<128xi32, #tpu.memory_space<vmem>>
    %dma_start3A_176 = arith.constant 0 : i32
    %dma_start3A_177 = arith.constant 0 : i32
    %dma_start3A_178 = tpu.memref_slice %arg7[%dma_start3A_176, %dma_start3A_177] : memref<8192x128xf32, #tpu.memory_space<vmem_shared>> -> memref<8192x128xf32, #tpu.memory_space<vmem_shared>>
    tpu.enqueue_indirect_dma source(%dma_start3A_178 : memref<8192x128xf32, #tpu.memory_space<vmem_shared>>) target(%dma_start3A_173 : memref<128x128xf32, #tpu.memory_space<vmem>>) offsets(%dma_start3A_175 : memref<128xi32, #tpu.memory_space<vmem>>) semaphore(%arg8 : memref<!tpu.dma_semaphore, #tpu.memory_space<semaphore_mem>>)
    %dma_wait3A_179 = arith.constant 0 : i32
    %dma_wait3A_180 = arith.constant 0 : i32
    %dma_wait3A_181 = arith.constant 0 : i32
    %dma_wait3A_182 = tpu.memref_slice %arg6[%dma_wait3A_179, %dma_wait3A_180, %dma_wait3A_181] : memref<3x128x128xf32, #tpu.memory_space<vmem>> -> memref<1x128x128xf32, #tpu.memory_space<vmem>>
    %dma_wait3A_183 = tpu.memref_squeeze %dma_wait3A_182 : memref<1x128x128xf32, #tpu.memory_space<vmem>> -> memref<128x128xf32, #tpu.memory_space<vmem>>
    %dma_wait3A_184 = arith.constant 384 : i32
    %dma_wait3A_185 = tpu.memref_slice %arg5[%dma_wait3A_184] : memref<1024xi32, #tpu.memory_space<vmem>> -> memref<128xi32, #tpu.memory_space<vmem>>
    %dma_wait3A_186 = arith.constant 0 : i32
    %dma_wait3A_187 = arith.constant 0 : i32
    %dma_wait3A_188 = tpu.memref_slice %arg7[%dma_wait3A_186, %dma_wait3A_187] : memref<8192x128xf32, #tpu.memory_space<vmem_shared>> -> memref<8192x128xf32, #tpu.memory_space<vmem_shared>>
    tpu.wait_indirect_dma semaphore(%arg8 : memref<!tpu.dma_semaphore, #tpu.memory_space<semaphore_mem>>) src(%dma_wait3A_188 : memref<8192x128xf32, #tpu.memory_space<vmem_shared>>) dst(%dma_wait3A_183 : memref<128x128xf32, #tpu.memory_space<vmem>>)
    %add3A_189 = arith.constant 384 : i32
    %add3A_190 = arith.addi %mul3A_32, %add3A_189 : i32
    %dma_start3A_191 = arith.constant 0 : i32
    %dma_start3A_192 = arith.constant 0 : i32
    %dma_start3A_193 = arith.constant 0 : i32
    %dma_start3A_194 = tpu.memref_slice %arg6[%dma_start3A_191, %dma_start3A_192, %dma_start3A_193] : memref<3x128x128xf32, #tpu.memory_space<vmem>> -> memref<1x128x128xf32, #tpu.memory_space<vmem>>
    %dma_start3A_195 = tpu.memref_squeeze %dma_start3A_194 : memref<1x128x128xf32, #tpu.memory_space<vmem>> -> memref<128x128xf32, #tpu.memory_space<vmem>>
    %dma_start3A_196 = arith.constant 0 : i32
    %dma_start3A_197 = tpu.memref_slice %arg4[%select_n3A, %add3A_190, %dma_start3A_196] : memref<4x8192x128xf32, #tpu.memory_space<hbm>> -> memref<1x128x128xf32, #tpu.memory_space<hbm>>
    %dma_start3A_198 = tpu.memref_squeeze %dma_start3A_197 : memref<1x128x128xf32, #tpu.memory_space<hbm>> -> memref<128x128xf32, #tpu.memory_space<hbm>>
    %dma_start3A_199 = arith.constant 0 : i32
    %dma_start3A_200 = tpu.memref_slice %arg4[%select_n3A, %add3A_190, %dma_start3A_199] : memref<4x8192x128xf32, #tpu.memory_space<hbm>> -> memref<1x128x128xf32, #tpu.memory_space<hbm>>
    %dma_start3A_201 = tpu.memref_squeeze %dma_start3A_200 : memref<1x128x128xf32, #tpu.memory_space<hbm>> -> memref<128x128xf32, #tpu.memory_space<hbm>>
    %dma_start3A_202 = arith.constant 0 : i32
    %dma_start3A_203 = arith.constant 0 : i32
    %dma_start3A_204 = tpu.memref_slice %arg6[%dma_start3A_191, %dma_start3A_202, %dma_start3A_203] : memref<3x128x128xf32, #tpu.memory_space<vmem>> -> memref<1x128x128xf32, #tpu.memory_space<vmem>>
    %dma_start3A_205 = tpu.memref_squeeze %dma_start3A_204 : memref<1x128x128xf32, #tpu.memory_space<vmem>> -> memref<128x128xf32, #tpu.memory_space<vmem>>
    tpu.enqueue_dma source(%dma_start3A_205 : memref<128x128xf32, #tpu.memory_space<vmem>>) target(%dma_start3A_201 : memref<128x128xf32, #tpu.memory_space<hbm>>) target_semaphore(%arg9 : memref<!tpu.dma_semaphore, #tpu.memory_space<semaphore_mem>>)
    %dma_wait3A_206 = arith.constant 1 : i32
    %dma_wait3A_207 = arith.constant 0 : i32
    %dma_wait3A_208 = arith.constant 0 : i32
    %dma_wait3A_209 = tpu.memref_slice %arg6[%dma_wait3A_206, %dma_wait3A_207, %dma_wait3A_208] : memref<3x128x128xf32, #tpu.memory_space<vmem>> -> memref<1x128x128xf32, #tpu.memory_space<vmem>>
    %dma_wait3A_210 = tpu.memref_squeeze %dma_wait3A_209 : memref<1x128x128xf32, #tpu.memory_space<vmem>> -> memref<128x128xf32, #tpu.memory_space<vmem>>
    %dma_wait3A_211 = arith.constant 0 : i32
    %dma_wait3A_212 = tpu.memref_slice %arg4[%select_n3A, %add3A_111, %dma_wait3A_211] : memref<4x8192x128xf32, #tpu.memory_space<hbm>> -> memref<1x128x128xf32, #tpu.memory_space<hbm>>
    %dma_wait3A_213 = tpu.memref_squeeze %dma_wait3A_212 : memref<1x128x128xf32, #tpu.memory_space<hbm>> -> memref<128x128xf32, #tpu.memory_space<hbm>>
    %dma_wait3A_214 = arith.constant 0 : i32
    %dma_wait3A_215 = tpu.memref_slice %arg4[%select_n3A, %add3A_111, %dma_wait3A_214] : memref<4x8192x128xf32, #tpu.memory_space<hbm>> -> memref<1x128x128xf32, #tpu.memory_space<hbm>>
    %dma_wait3A_216 = tpu.memref_squeeze %dma_wait3A_215 : memref<1x128x128xf32, #tpu.memory_space<hbm>> -> memref<128x128xf32, #tpu.memory_space<hbm>>
    %dma_wait3A_217 = arith.constant 0 : i32
    %dma_wait3A_218 = arith.constant 0 : i32
    %dma_wait3A_219 = tpu.memref_slice %arg6[%dma_wait3A_206, %dma_wait3A_217, %dma_wait3A_218] : memref<3x128x128xf32, #tpu.memory_space<vmem>> -> memref<1x128x128xf32, #tpu.memory_space<vmem>>
    %dma_wait3A_220 = tpu.memref_squeeze %dma_wait3A_219 : memref<1x128x128xf32, #tpu.memory_space<vmem>> -> memref<128x128xf32, #tpu.memory_space<vmem>>
    tpu.wait_dma2 semaphore(%arg9 : memref<!tpu.dma_semaphore, #tpu.memory_space<semaphore_mem>>) src(%dma_wait3A_220 : memref<128x128xf32, #tpu.memory_space<vmem>>) dst(%dma_wait3A_216 : memref<128x128xf32, #tpu.memory_space<hbm>>)
    %dma_start3A_221 = arith.constant 1 : i32
    %dma_start3A_222 = arith.constant 0 : i32
    %dma_start3A_223 = arith.constant 0 : i32
    %dma_start3A_224 = tpu.memref_slice %arg6[%dma_start3A_221, %dma_start3A_222, %dma_start3A_223] : memref<3x128x128xf32, #tpu.memory_space<vmem>> -> memref<1x128x128xf32, #tpu.memory_space<vmem>>
    %dma_start3A_225 = tpu.memref_squeeze %dma_start3A_224 : memref<1x128x128xf32, #tpu.memory_space<vmem>> -> memref<128x128xf32, #tpu.memory_space<vmem>>
    %dma_start3A_226 = arith.constant 512 : i32
    %dma_start3A_227 = tpu.memref_slice %arg5[%dma_start3A_226] : memref<1024xi32, #tpu.memory_space<vmem>> -> memref<128xi32, #tpu.memory_space<vmem>>
    %dma_start3A_228 = arith.constant 0 : i32
    %dma_start3A_229 = arith.constant 0 : i32
    %dma_start3A_230 = tpu.memref_slice %arg7[%dma_start3A_228, %dma_start3A_229] : memref<8192x128xf32, #tpu.memory_space<vmem_shared>> -> memref<8192x128xf32, #tpu.memory_space<vmem_shared>>
    tpu.enqueue_indirect_dma source(%dma_start3A_230 : memref<8192x128xf32, #tpu.memory_space<vmem_shared>>) target(%dma_start3A_225 : memref<128x128xf32, #tpu.memory_space<vmem>>) offsets(%dma_start3A_227 : memref<128xi32, #tpu.memory_space<vmem>>) semaphore(%arg8 : memref<!tpu.dma_semaphore, #tpu.memory_space<semaphore_mem>>)
    %dma_wait3A_231 = arith.constant 1 : i32
    %dma_wait3A_232 = arith.constant 0 : i32
    %dma_wait3A_233 = arith.constant 0 : i32
    %dma_wait3A_234 = tpu.memref_slice %arg6[%dma_wait3A_231, %dma_wait3A_232, %dma_wait3A_233] : memref<3x128x128xf32, #tpu.memory_space<vmem>> -> memref<1x128x128xf32, #tpu.memory_space<vmem>>
    %dma_wait3A_235 = tpu.memref_squeeze %dma_wait3A_234 : memref<1x128x128xf32, #tpu.memory_space<vmem>> -> memref<128x128xf32, #tpu.memory_space<vmem>>
    %dma_wait3A_236 = arith.constant 512 : i32
    %dma_wait3A_237 = tpu.memref_slice %arg5[%dma_wait3A_236] : memref<1024xi32, #tpu.memory_space<vmem>> -> memref<128xi32, #tpu.memory_space<vmem>>
    %dma_wait3A_238 = arith.constant 0 : i32
    %dma_wait3A_239 = arith.constant 0 : i32
    %dma_wait3A_240 = tpu.memref_slice %arg7[%dma_wait3A_238, %dma_wait3A_239] : memref<8192x128xf32, #tpu.memory_space<vmem_shared>> -> memref<8192x128xf32, #tpu.memory_space<vmem_shared>>
    tpu.wait_indirect_dma semaphore(%arg8 : memref<!tpu.dma_semaphore, #tpu.memory_space<semaphore_mem>>) src(%dma_wait3A_240 : memref<8192x128xf32, #tpu.memory_space<vmem_shared>>) dst(%dma_wait3A_235 : memref<128x128xf32, #tpu.memory_space<vmem>>)
    %add3A_241 = arith.constant 512 : i32
    %add3A_242 = arith.addi %mul3A_32, %add3A_241 : i32
    %dma_start3A_243 = arith.constant 1 : i32
    %dma_start3A_244 = arith.constant 0 : i32
    %dma_start3A_245 = arith.constant 0 : i32
    %dma_start3A_246 = tpu.memref_slice %arg6[%dma_start3A_243, %dma_start3A_244, %dma_start3A_245] : memref<3x128x128xf32, #tpu.memory_space<vmem>> -> memref<1x128x128xf32, #tpu.memory_space<vmem>>
    %dma_start3A_247 = tpu.memref_squeeze %dma_start3A_246 : memref<1x128x128xf32, #tpu.memory_space<vmem>> -> memref<128x128xf32, #tpu.memory_space<vmem>>
    %dma_start3A_248 = arith.constant 0 : i32
    %dma_start3A_249 = tpu.memref_slice %arg4[%select_n3A, %add3A_242, %dma_start3A_248] : memref<4x8192x128xf32, #tpu.memory_space<hbm>> -> memref<1x128x128xf32, #tpu.memory_space<hbm>>
    %dma_start3A_250 = tpu.memref_squeeze %dma_start3A_249 : memref<1x128x128xf32, #tpu.memory_space<hbm>> -> memref<128x128xf32, #tpu.memory_space<hbm>>
    %dma_start3A_251 = arith.constant 0 : i32
    %dma_start3A_252 = tpu.memref_slice %arg4[%select_n3A, %add3A_242, %dma_start3A_251] : memref<4x8192x128xf32, #tpu.memory_space<hbm>> -> memref<1x128x128xf32, #tpu.memory_space<hbm>>
    %dma_start3A_253 = tpu.memref_squeeze %dma_start3A_252 : memref<1x128x128xf32, #tpu.memory_space<hbm>> -> memref<128x128xf32, #tpu.memory_space<hbm>>
    %dma_start3A_254 = arith.constant 0 : i32
    %dma_start3A_255 = arith.constant 0 : i32
    %dma_start3A_256 = tpu.memref_slice %arg6[%dma_start3A_243, %dma_start3A_254, %dma_start3A_255] : memref<3x128x128xf32, #tpu.memory_space<vmem>> -> memref<1x128x128xf32, #tpu.memory_space<vmem>>
    %dma_start3A_257 = tpu.memref_squeeze %dma_start3A_256 : memref<1x128x128xf32, #tpu.memory_space<vmem>> -> memref<128x128xf32, #tpu.memory_space<vmem>>
    tpu.enqueue_dma source(%dma_start3A_257 : memref<128x128xf32, #tpu.memory_space<vmem>>) target(%dma_start3A_253 : memref<128x128xf32, #tpu.memory_space<hbm>>) target_semaphore(%arg9 : memref<!tpu.dma_semaphore, #tpu.memory_space<semaphore_mem>>)
    %dma_wait3A_258 = arith.constant 2 : i32
    %dma_wait3A_259 = arith.constant 0 : i32
    %dma_wait3A_260 = arith.constant 0 : i32
    %dma_wait3A_261 = tpu.memref_slice %arg6[%dma_wait3A_258, %dma_wait3A_259, %dma_wait3A_260] : memref<3x128x128xf32, #tpu.memory_space<vmem>> -> memref<1x128x128xf32, #tpu.memory_space<vmem>>
    %dma_wait3A_262 = tpu.memref_squeeze %dma_wait3A_261 : memref<1x128x128xf32, #tpu.memory_space<vmem>> -> memref<128x128xf32, #tpu.memory_space<vmem>>
    %dma_wait3A_263 = arith.constant 0 : i32
    %dma_wait3A_264 = tpu.memref_slice %arg4[%select_n3A, %add3A_138, %dma_wait3A_263] : memref<4x8192x128xf32, #tpu.memory_space<hbm>> -> memref<1x128x128xf32, #tpu.memory_space<hbm>>
    %dma_wait3A_265 = tpu.memref_squeeze %dma_wait3A_264 : memref<1x128x128xf32, #tpu.memory_space<hbm>> -> memref<128x128xf32, #tpu.memory_space<hbm>>
    %dma_wait3A_266 = arith.constant 0 : i32
    %dma_wait3A_267 = tpu.memref_slice %arg4[%select_n3A, %add3A_138, %dma_wait3A_266] : memref<4x8192x128xf32, #tpu.memory_space<hbm>> -> memref<1x128x128xf32, #tpu.memory_space<hbm>>
    %dma_wait3A_268 = tpu.memref_squeeze %dma_wait3A_267 : memref<1x128x128xf32, #tpu.memory_space<hbm>> -> memref<128x128xf32, #tpu.memory_space<hbm>>
    %dma_wait3A_269 = arith.constant 0 : i32
    %dma_wait3A_270 = arith.constant 0 : i32
    %dma_wait3A_271 = tpu.memref_slice %arg6[%dma_wait3A_258, %dma_wait3A_269, %dma_wait3A_270] : memref<3x128x128xf32, #tpu.memory_space<vmem>> -> memref<1x128x128xf32, #tpu.memory_space<vmem>>
    %dma_wait3A_272 = tpu.memref_squeeze %dma_wait3A_271 : memref<1x128x128xf32, #tpu.memory_space<vmem>> -> memref<128x128xf32, #tpu.memory_space<vmem>>
    tpu.wait_dma2 semaphore(%arg9 : memref<!tpu.dma_semaphore, #tpu.memory_space<semaphore_mem>>) src(%dma_wait3A_272 : memref<128x128xf32, #tpu.memory_space<vmem>>) dst(%dma_wait3A_268 : memref<128x128xf32, #tpu.memory_space<hbm>>)
    %dma_start3A_273 = arith.constant 2 : i32
    %dma_start3A_274 = arith.constant 0 : i32
    %dma_start3A_275 = arith.constant 0 : i32
    %dma_start3A_276 = tpu.memref_slice %arg6[%dma_start3A_273, %dma_start3A_274, %dma_start3A_275] : memref<3x128x128xf32, #tpu.memory_space<vmem>> -> memref<1x128x128xf32, #tpu.memory_space<vmem>>
    %dma_start3A_277 = tpu.memref_squeeze %dma_start3A_276 : memref<1x128x128xf32, #tpu.memory_space<vmem>> -> memref<128x128xf32, #tpu.memory_space<vmem>>
    %dma_start3A_278 = arith.constant 640 : i32
    %dma_start3A_279 = tpu.memref_slice %arg5[%dma_start3A_278] : memref<1024xi32, #tpu.memory_space<vmem>> -> memref<128xi32, #tpu.memory_space<vmem>>
    %dma_start3A_280 = arith.constant 0 : i32
    %dma_start3A_281 = arith.constant 0 : i32
    %dma_start3A_282 = tpu.memref_slice %arg7[%dma_start3A_280, %dma_start3A_281] : memref<8192x128xf32, #tpu.memory_space<vmem_shared>> -> memref<8192x128xf32, #tpu.memory_space<vmem_shared>>
    tpu.enqueue_indirect_dma source(%dma_start3A_282 : memref<8192x128xf32, #tpu.memory_space<vmem_shared>>) target(%dma_start3A_277 : memref<128x128xf32, #tpu.memory_space<vmem>>) offsets(%dma_start3A_279 : memref<128xi32, #tpu.memory_space<vmem>>) semaphore(%arg8 : memref<!tpu.dma_semaphore, #tpu.memory_space<semaphore_mem>>)
    %dma_wait3A_283 = arith.constant 2 : i32
    %dma_wait3A_284 = arith.constant 0 : i32
    %dma_wait3A_285 = arith.constant 0 : i32
    %dma_wait3A_286 = tpu.memref_slice %arg6[%dma_wait3A_283, %dma_wait3A_284, %dma_wait3A_285] : memref<3x128x128xf32, #tpu.memory_space<vmem>> -> memref<1x128x128xf32, #tpu.memory_space<vmem>>
    %dma_wait3A_287 = tpu.memref_squeeze %dma_wait3A_286 : memref<1x128x128xf32, #tpu.memory_space<vmem>> -> memref<128x128xf32, #tpu.memory_space<vmem>>
    %dma_wait3A_288 = arith.constant 640 : i32
    %dma_wait3A_289 = tpu.memref_slice %arg5[%dma_wait3A_288] : memref<1024xi32, #tpu.memory_space<vmem>> -> memref<128xi32, #tpu.memory_space<vmem>>
    %dma_wait3A_290 = arith.constant 0 : i32
    %dma_wait3A_291 = arith.constant 0 : i32
    %dma_wait3A_292 = tpu.memref_slice %arg7[%dma_wait3A_290, %dma_wait3A_291] : memref<8192x128xf32, #tpu.memory_space<vmem_shared>> -> memref<8192x128xf32, #tpu.memory_space<vmem_shared>>
    tpu.wait_indirect_dma semaphore(%arg8 : memref<!tpu.dma_semaphore, #tpu.memory_space<semaphore_mem>>) src(%dma_wait3A_292 : memref<8192x128xf32, #tpu.memory_space<vmem_shared>>) dst(%dma_wait3A_287 : memref<128x128xf32, #tpu.memory_space<vmem>>)
    %add3A_293 = arith.constant 640 : i32
    %add3A_294 = arith.addi %mul3A_32, %add3A_293 : i32
    %dma_start3A_295 = arith.constant 2 : i32
    %dma_start3A_296 = arith.constant 0 : i32
    %dma_start3A_297 = arith.constant 0 : i32
    %dma_start3A_298 = tpu.memref_slice %arg6[%dma_start3A_295, %dma_start3A_296, %dma_start3A_297] : memref<3x128x128xf32, #tpu.memory_space<vmem>> -> memref<1x128x128xf32, #tpu.memory_space<vmem>>
    %dma_start3A_299 = tpu.memref_squeeze %dma_start3A_298 : memref<1x128x128xf32, #tpu.memory_space<vmem>> -> memref<128x128xf32, #tpu.memory_space<vmem>>
    %dma_start3A_300 = arith.constant 0 : i32
    %dma_start3A_301 = tpu.memref_slice %arg4[%select_n3A, %add3A_294, %dma_start3A_300] : memref<4x8192x128xf32, #tpu.memory_space<hbm>> -> memref<1x128x128xf32, #tpu.memory_space<hbm>>
    %dma_start3A_302 = tpu.memref_squeeze %dma_start3A_301 : memref<1x128x128xf32, #tpu.memory_space<hbm>> -> memref<128x128xf32, #tpu.memory_space<hbm>>
    %dma_start3A_303 = arith.constant 0 : i32
    %dma_start3A_304 = tpu.memref_slice %arg4[%select_n3A, %add3A_294, %dma_start3A_303] : memref<4x8192x128xf32, #tpu.memory_space<hbm>> -> memref<1x128x128xf32, #tpu.memory_space<hbm>>
    %dma_start3A_305 = tpu.memref_squeeze %dma_start3A_304 : memref<1x128x128xf32, #tpu.memory_space<hbm>> -> memref<128x128xf32, #tpu.memory_space<hbm>>
    %dma_start3A_306 = arith.constant 0 : i32
    %dma_start3A_307 = arith.constant 0 : i32
    %dma_start3A_308 = tpu.memref_slice %arg6[%dma_start3A_295, %dma_start3A_306, %dma_start3A_307] : memref<3x128x128xf32, #tpu.memory_space<vmem>> -> memref<1x128x128xf32, #tpu.memory_space<vmem>>
    %dma_start3A_309 = tpu.memref_squeeze %dma_start3A_308 : memref<1x128x128xf32, #tpu.memory_space<vmem>> -> memref<128x128xf32, #tpu.memory_space<vmem>>
    tpu.enqueue_dma source(%dma_start3A_309 : memref<128x128xf32, #tpu.memory_space<vmem>>) target(%dma_start3A_305 : memref<128x128xf32, #tpu.memory_space<hbm>>) target_semaphore(%arg9 : memref<!tpu.dma_semaphore, #tpu.memory_space<semaphore_mem>>)
    %dma_wait3A_310 = arith.constant 0 : i32
    %dma_wait3A_311 = arith.constant 0 : i32
    %dma_wait3A_312 = arith.constant 0 : i32
    %dma_wait3A_313 = tpu.memref_slice %arg6[%dma_wait3A_310, %dma_wait3A_311, %dma_wait3A_312] : memref<3x128x128xf32, #tpu.memory_space<vmem>> -> memref<1x128x128xf32, #tpu.memory_space<vmem>>
    %dma_wait3A_314 = tpu.memref_squeeze %dma_wait3A_313 : memref<1x128x128xf32, #tpu.memory_space<vmem>> -> memref<128x128xf32, #tpu.memory_space<vmem>>
    %dma_wait3A_315 = arith.constant 0 : i32
    %dma_wait3A_316 = tpu.memref_slice %arg4[%select_n3A, %add3A_190, %dma_wait3A_315] : memref<4x8192x128xf32, #tpu.memory_space<hbm>> -> memref<1x128x128xf32, #tpu.memory_space<hbm>>
    %dma_wait3A_317 = tpu.memref_squeeze %dma_wait3A_316 : memref<1x128x128xf32, #tpu.memory_space<hbm>> -> memref<128x128xf32, #tpu.memory_space<hbm>>
    %dma_wait3A_318 = arith.constant 0 : i32
    %dma_wait3A_319 = tpu.memref_slice %arg4[%select_n3A, %add3A_190, %dma_wait3A_318] : memref<4x8192x128xf32, #tpu.memory_space<hbm>> -> memref<1x128x128xf32, #tpu.memory_space<hbm>>
    %dma_wait3A_320 = tpu.memref_squeeze %dma_wait3A_319 : memref<1x128x128xf32, #tpu.memory_space<hbm>> -> memref<128x128xf32, #tpu.memory_space<hbm>>
    %dma_wait3A_321 = arith.constant 0 : i32
    %dma_wait3A_322 = arith.constant 0 : i32
    %dma_wait3A_323 = tpu.memref_slice %arg6[%dma_wait3A_310, %dma_wait3A_321, %dma_wait3A_322] : memref<3x128x128xf32, #tpu.memory_space<vmem>> -> memref<1x128x128xf32, #tpu.memory_space<vmem>>
    %dma_wait3A_324 = tpu.memref_squeeze %dma_wait3A_323 : memref<1x128x128xf32, #tpu.memory_space<vmem>> -> memref<128x128xf32, #tpu.memory_space<vmem>>
    tpu.wait_dma2 semaphore(%arg9 : memref<!tpu.dma_semaphore, #tpu.memory_space<semaphore_mem>>) src(%dma_wait3A_324 : memref<128x128xf32, #tpu.memory_space<vmem>>) dst(%dma_wait3A_320 : memref<128x128xf32, #tpu.memory_space<hbm>>)
    %dma_start3A_325 = arith.constant 0 : i32
    %dma_start3A_326 = arith.constant 0 : i32
    %dma_start3A_327 = arith.constant 0 : i32
    %dma_start3A_328 = tpu.memref_slice %arg6[%dma_start3A_325, %dma_start3A_326, %dma_start3A_327] : memref<3x128x128xf32, #tpu.memory_space<vmem>> -> memref<1x128x128xf32, #tpu.memory_space<vmem>>
    %dma_start3A_329 = tpu.memref_squeeze %dma_start3A_328 : memref<1x128x128xf32, #tpu.memory_space<vmem>> -> memref<128x128xf32, #tpu.memory_space<vmem>>
    %dma_start3A_330 = arith.constant 768 : i32
    %dma_start3A_331 = tpu.memref_slice %arg5[%dma_start3A_330] : memref<1024xi32, #tpu.memory_space<vmem>> -> memref<128xi32, #tpu.memory_space<vmem>>
    %dma_start3A_332 = arith.constant 0 : i32
    %dma_start3A_333 = arith.constant 0 : i32
    %dma_start3A_334 = tpu.memref_slice %arg7[%dma_start3A_332, %dma_start3A_333] : memref<8192x128xf32, #tpu.memory_space<vmem_shared>> -> memref<8192x128xf32, #tpu.memory_space<vmem_shared>>
    tpu.enqueue_indirect_dma source(%dma_start3A_334 : memref<8192x128xf32, #tpu.memory_space<vmem_shared>>) target(%dma_start3A_329 : memref<128x128xf32, #tpu.memory_space<vmem>>) offsets(%dma_start3A_331 : memref<128xi32, #tpu.memory_space<vmem>>) semaphore(%arg8 : memref<!tpu.dma_semaphore, #tpu.memory_space<semaphore_mem>>)
    %dma_wait3A_335 = arith.constant 0 : i32
    %dma_wait3A_336 = arith.constant 0 : i32
    %dma_wait3A_337 = arith.constant 0 : i32
    %dma_wait3A_338 = tpu.memref_slice %arg6[%dma_wait3A_335, %dma_wait3A_336, %dma_wait3A_337] : memref<3x128x128xf32, #tpu.memory_space<vmem>> -> memref<1x128x128xf32, #tpu.memory_space<vmem>>
    %dma_wait3A_339 = tpu.memref_squeeze %dma_wait3A_338 : memref<1x128x128xf32, #tpu.memory_space<vmem>> -> memref<128x128xf32, #tpu.memory_space<vmem>>
    %dma_wait3A_340 = arith.constant 768 : i32
    %dma_wait3A_341 = tpu.memref_slice %arg5[%dma_wait3A_340] : memref<1024xi32, #tpu.memory_space<vmem>> -> memref<128xi32, #tpu.memory_space<vmem>>
    %dma_wait3A_342 = arith.constant 0 : i32
    %dma_wait3A_343 = arith.constant 0 : i32
    %dma_wait3A_344 = tpu.memref_slice %arg7[%dma_wait3A_342, %dma_wait3A_343] : memref<8192x128xf32, #tpu.memory_space<vmem_shared>> -> memref<8192x128xf32, #tpu.memory_space<vmem_shared>>
    tpu.wait_indirect_dma semaphore(%arg8 : memref<!tpu.dma_semaphore, #tpu.memory_space<semaphore_mem>>) src(%dma_wait3A_344 : memref<8192x128xf32, #tpu.memory_space<vmem_shared>>) dst(%dma_wait3A_339 : memref<128x128xf32, #tpu.memory_space<vmem>>)
    %add3A_345 = arith.constant 768 : i32
    %add3A_346 = arith.addi %mul3A_32, %add3A_345 : i32
    %dma_start3A_347 = arith.constant 0 : i32
    %dma_start3A_348 = arith.constant 0 : i32
    %dma_start3A_349 = arith.constant 0 : i32
    %dma_start3A_350 = tpu.memref_slice %arg6[%dma_start3A_347, %dma_start3A_348, %dma_start3A_349] : memref<3x128x128xf32, #tpu.memory_space<vmem>> -> memref<1x128x128xf32, #tpu.memory_space<vmem>>
    %dma_start3A_351 = tpu.memref_squeeze %dma_start3A_350 : memref<1x128x128xf32, #tpu.memory_space<vmem>> -> memref<128x128xf32, #tpu.memory_space<vmem>>
    %dma_start3A_352 = arith.constant 0 : i32
    %dma_start3A_353 = tpu.memref_slice %arg4[%select_n3A, %add3A_346, %dma_start3A_352] : memref<4x8192x128xf32, #tpu.memory_space<hbm>> -> memref<1x128x128xf32, #tpu.memory_space<hbm>>
    %dma_start3A_354 = tpu.memref_squeeze %dma_start3A_353 : memref<1x128x128xf32, #tpu.memory_space<hbm>> -> memref<128x128xf32, #tpu.memory_space<hbm>>
    %dma_start3A_355 = arith.constant 0 : i32
    %dma_start3A_356 = tpu.memref_slice %arg4[%select_n3A, %add3A_346, %dma_start3A_355] : memref<4x8192x128xf32, #tpu.memory_space<hbm>> -> memref<1x128x128xf32, #tpu.memory_space<hbm>>
    %dma_start3A_357 = tpu.memref_squeeze %dma_start3A_356 : memref<1x128x128xf32, #tpu.memory_space<hbm>> -> memref<128x128xf32, #tpu.memory_space<hbm>>
    %dma_start3A_358 = arith.constant 0 : i32
    %dma_start3A_359 = arith.constant 0 : i32
    %dma_start3A_360 = tpu.memref_slice %arg6[%dma_start3A_347, %dma_start3A_358, %dma_start3A_359] : memref<3x128x128xf32, #tpu.memory_space<vmem>> -> memref<1x128x128xf32, #tpu.memory_space<vmem>>
    %dma_start3A_361 = tpu.memref_squeeze %dma_start3A_360 : memref<1x128x128xf32, #tpu.memory_space<vmem>> -> memref<128x128xf32, #tpu.memory_space<vmem>>
    tpu.enqueue_dma source(%dma_start3A_361 : memref<128x128xf32, #tpu.memory_space<vmem>>) target(%dma_start3A_357 : memref<128x128xf32, #tpu.memory_space<hbm>>) target_semaphore(%arg9 : memref<!tpu.dma_semaphore, #tpu.memory_space<semaphore_mem>>)
    %dma_wait3A_362 = arith.constant 1 : i32
    %dma_wait3A_363 = arith.constant 0 : i32
    %dma_wait3A_364 = arith.constant 0 : i32
    %dma_wait3A_365 = tpu.memref_slice %arg6[%dma_wait3A_362, %dma_wait3A_363, %dma_wait3A_364] : memref<3x128x128xf32, #tpu.memory_space<vmem>> -> memref<1x128x128xf32, #tpu.memory_space<vmem>>
    %dma_wait3A_366 = tpu.memref_squeeze %dma_wait3A_365 : memref<1x128x128xf32, #tpu.memory_space<vmem>> -> memref<128x128xf32, #tpu.memory_space<vmem>>
    %dma_wait3A_367 = arith.constant 0 : i32
    %dma_wait3A_368 = tpu.memref_slice %arg4[%select_n3A, %add3A_242, %dma_wait3A_367] : memref<4x8192x128xf32, #tpu.memory_space<hbm>> -> memref<1x128x128xf32, #tpu.memory_space<hbm>>
    %dma_wait3A_369 = tpu.memref_squeeze %dma_wait3A_368 : memref<1x128x128xf32, #tpu.memory_space<hbm>> -> memref<128x128xf32, #tpu.memory_space<hbm>>
    %dma_wait3A_370 = arith.constant 0 : i32
    %dma_wait3A_371 = tpu.memref_slice %arg4[%select_n3A, %add3A_242, %dma_wait3A_370] : memref<4x8192x128xf32, #tpu.memory_space<hbm>> -> memref<1x128x128xf32, #tpu.memory_space<hbm>>
    %dma_wait3A_372 = tpu.memref_squeeze %dma_wait3A_371 : memref<1x128x128xf32, #tpu.memory_space<hbm>> -> memref<128x128xf32, #tpu.memory_space<hbm>>
    %dma_wait3A_373 = arith.constant 0 : i32
    %dma_wait3A_374 = arith.constant 0 : i32
    %dma_wait3A_375 = tpu.memref_slice %arg6[%dma_wait3A_362, %dma_wait3A_373, %dma_wait3A_374] : memref<3x128x128xf32, #tpu.memory_space<vmem>> -> memref<1x128x128xf32, #tpu.memory_space<vmem>>
    %dma_wait3A_376 = tpu.memref_squeeze %dma_wait3A_375 : memref<1x128x128xf32, #tpu.memory_space<vmem>> -> memref<128x128xf32, #tpu.memory_space<vmem>>
    tpu.wait_dma2 semaphore(%arg9 : memref<!tpu.dma_semaphore, #tpu.memory_space<semaphore_mem>>) src(%dma_wait3A_376 : memref<128x128xf32, #tpu.memory_space<vmem>>) dst(%dma_wait3A_372 : memref<128x128xf32, #tpu.memory_space<hbm>>)
    %dma_start3A_377 = arith.constant 1 : i32
    %dma_start3A_378 = arith.constant 0 : i32
    %dma_start3A_379 = arith.constant 0 : i32
    %dma_start3A_380 = tpu.memref_slice %arg6[%dma_start3A_377, %dma_start3A_378, %dma_start3A_379] : memref<3x128x128xf32, #tpu.memory_space<vmem>> -> memref<1x128x128xf32, #tpu.memory_space<vmem>>
    %dma_start3A_381 = tpu.memref_squeeze %dma_start3A_380 : memref<1x128x128xf32, #tpu.memory_space<vmem>> -> memref<128x128xf32, #tpu.memory_space<vmem>>
    %dma_start3A_382 = arith.constant 896 : i32
    %dma_start3A_383 = tpu.memref_slice %arg5[%dma_start3A_382] : memref<1024xi32, #tpu.memory_space<vmem>> -> memref<128xi32, #tpu.memory_space<vmem>>
    %dma_start3A_384 = arith.constant 0 : i32
    %dma_start3A_385 = arith.constant 0 : i32
    %dma_start3A_386 = tpu.memref_slice %arg7[%dma_start3A_384, %dma_start3A_385] : memref<8192x128xf32, #tpu.memory_space<vmem_shared>> -> memref<8192x128xf32, #tpu.memory_space<vmem_shared>>
    tpu.enqueue_indirect_dma source(%dma_start3A_386 : memref<8192x128xf32, #tpu.memory_space<vmem_shared>>) target(%dma_start3A_381 : memref<128x128xf32, #tpu.memory_space<vmem>>) offsets(%dma_start3A_383 : memref<128xi32, #tpu.memory_space<vmem>>) semaphore(%arg8 : memref<!tpu.dma_semaphore, #tpu.memory_space<semaphore_mem>>)
    %dma_wait3A_387 = arith.constant 1 : i32
    %dma_wait3A_388 = arith.constant 0 : i32
    %dma_wait3A_389 = arith.constant 0 : i32
    %dma_wait3A_390 = tpu.memref_slice %arg6[%dma_wait3A_387, %dma_wait3A_388, %dma_wait3A_389] : memref<3x128x128xf32, #tpu.memory_space<vmem>> -> memref<1x128x128xf32, #tpu.memory_space<vmem>>
    %dma_wait3A_391 = tpu.memref_squeeze %dma_wait3A_390 : memref<1x128x128xf32, #tpu.memory_space<vmem>> -> memref<128x128xf32, #tpu.memory_space<vmem>>
    %dma_wait3A_392 = arith.constant 896 : i32
    %dma_wait3A_393 = tpu.memref_slice %arg5[%dma_wait3A_392] : memref<1024xi32, #tpu.memory_space<vmem>> -> memref<128xi32, #tpu.memory_space<vmem>>
    %dma_wait3A_394 = arith.constant 0 : i32
    %dma_wait3A_395 = arith.constant 0 : i32
    %dma_wait3A_396 = tpu.memref_slice %arg7[%dma_wait3A_394, %dma_wait3A_395] : memref<8192x128xf32, #tpu.memory_space<vmem_shared>> -> memref<8192x128xf32, #tpu.memory_space<vmem_shared>>
    tpu.wait_indirect_dma semaphore(%arg8 : memref<!tpu.dma_semaphore, #tpu.memory_space<semaphore_mem>>) src(%dma_wait3A_396 : memref<8192x128xf32, #tpu.memory_space<vmem_shared>>) dst(%dma_wait3A_391 : memref<128x128xf32, #tpu.memory_space<vmem>>)
    %add3A_397 = arith.constant 896 : i32
    %add3A_398 = arith.addi %mul3A_32, %add3A_397 : i32
    %dma_start3A_399 = arith.constant 1 : i32
    %dma_start3A_400 = arith.constant 0 : i32
    %dma_start3A_401 = arith.constant 0 : i32
    %dma_start3A_402 = tpu.memref_slice %arg6[%dma_start3A_399, %dma_start3A_400, %dma_start3A_401] : memref<3x128x128xf32, #tpu.memory_space<vmem>> -> memref<1x128x128xf32, #tpu.memory_space<vmem>>
    %dma_start3A_403 = tpu.memref_squeeze %dma_start3A_402 : memref<1x128x128xf32, #tpu.memory_space<vmem>> -> memref<128x128xf32, #tpu.memory_space<vmem>>
    %dma_start3A_404 = arith.constant 0 : i32
    %dma_start3A_405 = tpu.memref_slice %arg4[%select_n3A, %add3A_398, %dma_start3A_404] : memref<4x8192x128xf32, #tpu.memory_space<hbm>> -> memref<1x128x128xf32, #tpu.memory_space<hbm>>
    %dma_start3A_406 = tpu.memref_squeeze %dma_start3A_405 : memref<1x128x128xf32, #tpu.memory_space<hbm>> -> memref<128x128xf32, #tpu.memory_space<hbm>>
    %dma_start3A_407 = arith.constant 0 : i32
    %dma_start3A_408 = tpu.memref_slice %arg4[%select_n3A, %add3A_398, %dma_start3A_407] : memref<4x8192x128xf32, #tpu.memory_space<hbm>> -> memref<1x128x128xf32, #tpu.memory_space<hbm>>
    %dma_start3A_409 = tpu.memref_squeeze %dma_start3A_408 : memref<1x128x128xf32, #tpu.memory_space<hbm>> -> memref<128x128xf32, #tpu.memory_space<hbm>>
    %dma_start3A_410 = arith.constant 0 : i32
    %dma_start3A_411 = arith.constant 0 : i32
    %dma_start3A_412 = tpu.memref_slice %arg6[%dma_start3A_399, %dma_start3A_410, %dma_start3A_411] : memref<3x128x128xf32, #tpu.memory_space<vmem>> -> memref<1x128x128xf32, #tpu.memory_space<vmem>>
    %dma_start3A_413 = tpu.memref_squeeze %dma_start3A_412 : memref<1x128x128xf32, #tpu.memory_space<vmem>> -> memref<128x128xf32, #tpu.memory_space<vmem>>
    tpu.enqueue_dma source(%dma_start3A_413 : memref<128x128xf32, #tpu.memory_space<vmem>>) target(%dma_start3A_409 : memref<128x128xf32, #tpu.memory_space<hbm>>) target_semaphore(%arg9 : memref<!tpu.dma_semaphore, #tpu.memory_space<semaphore_mem>>)
    %dma_wait3A_414 = arith.constant 2 : i32
    %dma_wait3A_415 = arith.constant 0 : i32
    %dma_wait3A_416 = arith.constant 0 : i32
    %dma_wait3A_417 = tpu.memref_slice %arg6[%dma_wait3A_414, %dma_wait3A_415, %dma_wait3A_416] : memref<3x128x128xf32, #tpu.memory_space<vmem>> -> memref<1x128x128xf32, #tpu.memory_space<vmem>>
    %dma_wait3A_418 = tpu.memref_squeeze %dma_wait3A_417 : memref<1x128x128xf32, #tpu.memory_space<vmem>> -> memref<128x128xf32, #tpu.memory_space<vmem>>
    %dma_wait3A_419 = arith.constant 0 : i32
    %dma_wait3A_420 = tpu.memref_slice %arg4[%select_n3A, %add3A_294, %dma_wait3A_419] : memref<4x8192x128xf32, #tpu.memory_space<hbm>> -> memref<1x128x128xf32, #tpu.memory_space<hbm>>
    %dma_wait3A_421 = tpu.memref_squeeze %dma_wait3A_420 : memref<1x128x128xf32, #tpu.memory_space<hbm>> -> memref<128x128xf32, #tpu.memory_space<hbm>>
    %dma_wait3A_422 = arith.constant 0 : i32
    %dma_wait3A_423 = tpu.memref_slice %arg4[%select_n3A, %add3A_294, %dma_wait3A_422] : memref<4x8192x128xf32, #tpu.memory_space<hbm>> -> memref<1x128x128xf32, #tpu.memory_space<hbm>>
    %dma_wait3A_424 = tpu.memref_squeeze %dma_wait3A_423 : memref<1x128x128xf32, #tpu.memory_space<hbm>> -> memref<128x128xf32, #tpu.memory_space<hbm>>
    %dma_wait3A_425 = arith.constant 0 : i32
    %dma_wait3A_426 = arith.constant 0 : i32
    %dma_wait3A_427 = tpu.memref_slice %arg6[%dma_wait3A_414, %dma_wait3A_425, %dma_wait3A_426] : memref<3x128x128xf32, #tpu.memory_space<vmem>> -> memref<1x128x128xf32, #tpu.memory_space<vmem>>
    %dma_wait3A_428 = tpu.memref_squeeze %dma_wait3A_427 : memref<1x128x128xf32, #tpu.memory_space<vmem>> -> memref<128x128xf32, #tpu.memory_space<vmem>>
    tpu.wait_dma2 semaphore(%arg9 : memref<!tpu.dma_semaphore, #tpu.memory_space<semaphore_mem>>) src(%dma_wait3A_428 : memref<128x128xf32, #tpu.memory_space<vmem>>) dst(%dma_wait3A_424 : memref<128x128xf32, #tpu.memory_space<hbm>>)
    %dma_wait3A_429 = arith.constant 0 : i32
    %dma_wait3A_430 = arith.constant 0 : i32
    %dma_wait3A_431 = arith.constant 0 : i32
    %dma_wait3A_432 = tpu.memref_slice %arg6[%dma_wait3A_429, %dma_wait3A_430, %dma_wait3A_431] : memref<3x128x128xf32, #tpu.memory_space<vmem>> -> memref<1x128x128xf32, #tpu.memory_space<vmem>>
    %dma_wait3A_433 = tpu.memref_squeeze %dma_wait3A_432 : memref<1x128x128xf32, #tpu.memory_space<vmem>> -> memref<128x128xf32, #tpu.memory_space<vmem>>
    %dma_wait3A_434 = arith.constant 0 : i32
    %dma_wait3A_435 = tpu.memref_slice %arg4[%select_n3A, %add3A_346, %dma_wait3A_434] : memref<4x8192x128xf32, #tpu.memory_space<hbm>> -> memref<1x128x128xf32, #tpu.memory_space<hbm>>
    %dma_wait3A_436 = tpu.memref_squeeze %dma_wait3A_435 : memref<1x128x128xf32, #tpu.memory_space<hbm>> -> memref<128x128xf32, #tpu.memory_space<hbm>>
    %dma_wait3A_437 = arith.constant 0 : i32
    %dma_wait3A_438 = tpu.memref_slice %arg4[%select_n3A, %add3A_346, %dma_wait3A_437] : memref<4x8192x128xf32, #tpu.memory_space<hbm>> -> memref<1x128x128xf32, #tpu.memory_space<hbm>>
    %dma_wait3A_439 = tpu.memref_squeeze %dma_wait3A_438 : memref<1x128x128xf32, #tpu.memory_space<hbm>> -> memref<128x128xf32, #tpu.memory_space<hbm>>
    %dma_wait3A_440 = arith.constant 0 : i32
    %dma_wait3A_441 = arith.constant 0 : i32
    %dma_wait3A_442 = tpu.memref_slice %arg6[%dma_wait3A_429, %dma_wait3A_440, %dma_wait3A_441] : memref<3x128x128xf32, #tpu.memory_space<vmem>> -> memref<1x128x128xf32, #tpu.memory_space<vmem>>
    %dma_wait3A_443 = tpu.memref_squeeze %dma_wait3A_442 : memref<1x128x128xf32, #tpu.memory_space<vmem>> -> memref<128x128xf32, #tpu.memory_space<vmem>>
    tpu.wait_dma2 semaphore(%arg9 : memref<!tpu.dma_semaphore, #tpu.memory_space<semaphore_mem>>) src(%dma_wait3A_443 : memref<128x128xf32, #tpu.memory_space<vmem>>) dst(%dma_wait3A_439 : memref<128x128xf32, #tpu.memory_space<hbm>>)
    %dma_wait3A_444 = arith.constant 1 : i32
    %dma_wait3A_445 = arith.constant 0 : i32
    %dma_wait3A_446 = arith.constant 0 : i32
    %dma_wait3A_447 = tpu.memref_slice %arg6[%dma_wait3A_444, %dma_wait3A_445, %dma_wait3A_446] : memref<3x128x128xf32, #tpu.memory_space<vmem>> -> memref<1x128x128xf32, #tpu.memory_space<vmem>>
    %dma_wait3A_448 = tpu.memref_squeeze %dma_wait3A_447 : memref<1x128x128xf32, #tpu.memory_space<vmem>> -> memref<128x128xf32, #tpu.memory_space<vmem>>
    %dma_wait3A_449 = arith.constant 0 : i32
    %dma_wait3A_450 = tpu.memref_slice %arg4[%select_n3A, %add3A_398, %dma_wait3A_449] : memref<4x8192x128xf32, #tpu.memory_space<hbm>> -> memref<1x128x128xf32, #tpu.memory_space<hbm>>
    %dma_wait3A_451 = tpu.memref_squeeze %dma_wait3A_450 : memref<1x128x128xf32, #tpu.memory_space<hbm>> -> memref<128x128xf32, #tpu.memory_space<hbm>>
    %dma_wait3A_452 = arith.constant 0 : i32
    %dma_wait3A_453 = tpu.memref_slice %arg4[%select_n3A, %add3A_398, %dma_wait3A_452] : memref<4x8192x128xf32, #tpu.memory_space<hbm>> -> memref<1x128x128xf32, #tpu.memory_space<hbm>>
    %dma_wait3A_454 = tpu.memref_squeeze %dma_wait3A_453 : memref<1x128x128xf32, #tpu.memory_space<hbm>> -> memref<128x128xf32, #tpu.memory_space<hbm>>
    %dma_wait3A_455 = arith.constant 0 : i32
    %dma_wait3A_456 = arith.constant 0 : i32
    %dma_wait3A_457 = tpu.memref_slice %arg6[%dma_wait3A_444, %dma_wait3A_455, %dma_wait3A_456] : memref<3x128x128xf32, #tpu.memory_space<vmem>> -> memref<1x128x128xf32, #tpu.memory_space<vmem>>
    %dma_wait3A_458 = tpu.memref_squeeze %dma_wait3A_457 : memref<1x128x128xf32, #tpu.memory_space<vmem>> -> memref<128x128xf32, #tpu.memory_space<vmem>>
    tpu.wait_dma2 semaphore(%arg9 : memref<!tpu.dma_semaphore, #tpu.memory_space<semaphore_mem>>) src(%dma_wait3A_458 : memref<128x128xf32, #tpu.memory_space<vmem>>) dst(%dma_wait3A_454 : memref<128x128xf32, #tpu.memory_space<hbm>>)
    return
  }
}

</mosaic_0001>

<sc_bundles>
// kernel: kernel.3.cloned.1.call-start
scs
__scs_entry_jumppad:
0x0: {  	(pc) =	sbr.rel $0x88, $3  }
0x1: {  	(tag) =	ssettag $0x0;
	lr =	simm.s32 $0x1  }
0x2: {  	[smem:$0x3F9F] =	sst lr;
	_ =	strace $0xD0000000  }
0x3: {  	_ = 	snop  }
0x4: {  	_ = 	snop  }
0x5: {  	_ = 	snop  }
0x6: {  	_ = 	snop  }
0x7: {  	_ = 	snop  }
__scs_overlays_trampoline_lowered:
0x8: {  	[smem:$0x3FAE] =	sst s0  }
0x9: {  	[smem:$0x3FAF] =	sst s1  }
0xa: {  	[smem:$0x3FB0] =	sst s2  }
0xb: {  	[smem:$0x3FB1] =	sst s3  }
0xc: {  	[smem:$0x3FB2] =	sst s4  }
0xd: {  	[smem:$0x3FB3] =	sst s5  }
0xe: {  	[smem:$0x3FB4] =	sst s6  }
0xf: {  	[smem:$0x3FB5] =	sst s7  }
0x10: {  	[smem:$0x3FB6] =	sst s8  }
0x11: {  	[smem:$0x3FB7] =	sst s9;
	s0 =	simm.s32 @!p0 $0x0  }
0x12: {  	s1 =	sld [smem:$0x3F9D];
	s0 =	simm.s32 @p0 $0x1  }
0x13: {  	[smem:$0x3FB8] =	sst s0;
	s0 =	simm.s32 @!p1 $0x0  }
0x14: {  	s2 =	sld [smem:$0x3F9C];
	s0 =	simm.s32 @p1 $0x1  }
0x15: {  	[smem:$0x3FB9] =	sst s0;
	s0 =	simm.s32 @!p2 $0x0  }
0x16: {  	s3 =	sld [smem:$0x3FDB];
	s0 =	simm.s32 @p2 $0x1  }
0x17: {  	s4 =	simm.s32 $0x1BF5;
	[smem:$0x3FBB] =	sst s0  }
0x18: {  	s0 =	sld [smem:$0x3F9E];
	_ =	swait.ge [sflag:s4], $0x0  }
0x19: {  	s7 =	sld [smem:$0x3F9F]  }
0x1a: {  	s8 =	sadd.s32 $0xFFFFE003, lr  }
0x1b: {  	s9 =	sadd.s32 $0xFFFFFEF7, lr;
	s5 =	simm.s32 $0xFFFFFFFF;
	p2 =	slt.u32 s8, $0xFFFFF086  }
0x1c: {  	p1 =	slt.u32 s9, $0xF7A;
	s5 =	simm.s32 @!p2 $0x0  }
0x1d: {  	s5 =	simm.s32 @p1 $0x1;
	p0 =	seq.s32 s7, s2  }
0x1e: {  	s7 =	smul.u32 @!p0 $0xF7A, s2;
	p2 =	seq.s32 @!p0 s5, $0x0  }
0x1f: {  	s9 =	smul.u32 $0xF7A, s1;
	s8 =	simm.s32 @!p0 $0x1BF5;
	p2 =	por !p2, p0  }
0x20: {  	[sflag:s8] =	ssyncset.s32 @!p0 $0xFFFFF086;
	s6 =	sadd.s32 @!p0 s3, s7;
	s7 =	simm.s32 @!p0 $0x108  }
0x21: {  	s3 =	sadd.s32 s3, s9;
	s6 =	sadd.s32 @!p0 $0x88, s6;
	s7 =	simm.s32 @p2 $0x1082  }
0x22: {  	[simem:s7], [sflag:s8] =	dma.local @!p0 [hbm:s6], $0xF7A  }
0x23: {  	s9 =	sor.u32 $0xD0000000, s2;
	s6 =	simm.s32 $0x108;
	_ =	swait.ge @!p0 [sflag:s8], $0x0  }
0x24: {  	s3 =	sadd.s32 $0x88, s3;
	s6 =	simm.s32 @!p1 $0x1082;
	[sflag:s4] =	ssyncset.s32 $0xFFFFF086  }
0x25: {  	[simem:s6], [sflag:s4] =	dma.local [hbm:s3], $0xF7A  }
0x26: {  	[smem:$0x3F9F] =	sst s1;
	(tag) =	ssettag s2;
	_ =	strace s9  }
0x27: {  	s1 =	sld [smem:$0x3FAF]  }
0x28: {  	s2 =	sld [smem:$0x3FB0]  }
0x29: {  	s4 =	sld [smem:$0x3FB2]  }
0x2a: {  	p0 =	seq.s32 s5, $0x0;
	s5 =	sld [smem:$0x3FB3]  }
0x2b: {  	s6 =	sld [smem:$0x3FB4]  }
0x2c: {  	s7 =	sld [smem:$0x3FB5]  }
0x2d: {  	s3 =	simm.s32 $0x108;
	s8 =	sld [smem:$0x3FB6]  }
0x2e: {  	s3 =	simm.s32 @!p0 $0x1082;
	s9 =	sld [smem:$0x3FB7]  }
0x2f: {  	lr =	sadd.s32 s0, s3;
	s0 =	sld [smem:$0x3FAE]  }
0x30: {  	s3 =	sld [smem:$0x3FB1]  }
0x31: {  	[smem:$0x3FBA] =	sst s10  }
0x32: {  	s10 =	sld [smem:$0x3FB8];
	_ =	sdelay $0x3  }
0x33: {  	p0 =	seq.s32 s10, $0x1;
	s10 =	sld [smem:$0x3FBA];
	_ =	sdelay $0x3  }
0x34: {  	[smem:$0x3FBA] =	sst s10  }
0x35: {  	s10 =	sld [smem:$0x3FB9];
	_ =	sdelay $0x3  }
0x36: {  	p1 =	seq.s32 s10, $0x1;
	s10 =	sld [smem:$0x3FBA];
	_ =	sdelay $0x3  }
0x37: {  	[smem:$0x3FBA] =	sst s10  }
0x38: {  	s10 =	sld [smem:$0x3FBB]  }
0x39: {  	_ = 	snop;
	(pc) =	sbr.ind lr, $3  }
0x3a: {  	_ = 	snop  }
0x3b: {  	_ = 	snop  }
0x3c: {  	p2 =	seq.s32 s10, $0x1;
	s10 =	sld [smem:$0x3FBA]  }
0x3d: {  	_ =	shalt  }
0x3e: {  	_ =	shalt  }
0x3f: {  	_ =	shalt  }
0x40: {  	_ =	shalt  }
0x41: {  	_ =	shalt  }
0x42: {  	_ =	shalt  }
0x43: {  	_ =	shalt  }
0x44: {  	_ =	shalt  }
0x45: {  	_ =	shalt  }
0x46: {  	_ =	shalt  }
0x47: {  	_ =	shalt  }
0x48: {  	_ =	shalt  }
0x49: {  	_ =	shalt  }
0x4a: {  	_ =	shalt  }
0x4b: {  	_ =	shalt  }
0x4c: {  	_ =	shalt  }
0x4d: {  	_ =	shalt  }
0x4e: {  	_ =	shalt  }
0x4f: {  	_ =	shalt  }
0x50: {  	_ =	shalt  }
0x51: {  	_ =	shalt  }
0x52: {  	_ =	shalt  }
0x53: {  	_ =	shalt  }
0x54: {  	_ =	shalt  }
0x55: {  	_ =	shalt  }
0x56: {  	_ =	shalt  }
0x57: {  	_ =	shalt  }
0x58: {  	_ =	shalt  }
0x59: {  	_ =	shalt  }
0x5a: {  	_ =	shalt  }
0x5b: {  	_ =	shalt  }
0x5c: {  	_ =	shalt  }
0x5d: {  	_ =	shalt  }
0x5e: {  	_ =	shalt  }
0x5f: {  	_ =	shalt  }
0x60: {  	_ =	shalt  }
0x61: {  	_ =	shalt  }
0x62: {  	_ =	shalt  }
0x63: {  	_ =	shalt  }
0x64: {  	_ =	shalt  }
0x65: {  	_ =	shalt  }
0x66: {  	_ =	shalt  }
0x67: {  	_ =	shalt  }
0x68: {  	_ =	shalt  }
0x69: {  	_ =	shalt  }
0x6a: {  	_ =	shalt  }
0x6b: {  	_ =	shalt  }
0x6c: {  	_ =	shalt  }
0x6d: {  	_ =	shalt  }
0x6e: {  	_ =	shalt  }
0x6f: {  	_ =	shalt  }
0x70: {  	_ =	shalt  }
0x71: {  	_ =	shalt  }
0x72: {  	_ =	shalt  }
0x73: {  	_ =	shalt  }
0x74: {  	_ =	shalt  }
0x75: {  	_ =	shalt  }
0x76: {  	_ =	shalt  }
0x77: {  	_ =	shalt  }
0x78: {  	_ =	shalt  }
0x79: {  	_ =	shalt  }
0x7a: {  	_ =	shalt  }
0x7b: {  	_ =	shalt  }
0x7c: {  	_ =	shalt  }
0x7d: {  	_ =	shalt  }
0x7e: {  	_ =	shalt  }
0x7f: {  	_ =	shalt  }
0x80: {  	_ =	shalt  }
0x81: {  	_ =	shalt  }
0x82: {  	_ =	shalt  }
0x83: {  	_ =	shalt  }
0x84: {  	_ =	shalt  }
0x85: {  	_ =	shalt  }
0x86: {  	_ =	shalt  }
0x87: {  	_ =	shalt  }
.Lfunc_end0:
.L_simem_size_0:
called_computation_lowered:
.L_overlay_start_0:
0x88: {  	s2 =	sld [smem:$0x3FD9]  }
0x89: {  	s3 =	sld [smem:$0x3FFE];
	_ =	sdelay $0x1  }
0x8a: {  	s1 =	srdreg.scid  }
0x8b: {  	s0 =	sand.u32 $0x1, s1  }
0x8c: {  	s18 =	sshll.u32 s0, $0xA;
	s2 =	sadd.s32 s3, s2  }
0x8d: {  	s2 =	sadd.s32 s2, s18  }
0x8e: {  	[smem:$0x3FC6] =	sst s2  }
0x8f: {  	_ = 	snop  }
0x90: {  	s2 =	sld [smem:$0x3FC9]  }
0x91: {  	s19 =	sld [smem:$0x3FC8]  }
0x92: {  	s4 =	sld [smem:$0x3FD0];
	(tm) =	ssettm $0x1  }
0x93: {  	s5 =	sld [smem:$0x3FFB];
	_ =	sdelay $0x3  }
0x94: {  	_ =	strace s5  }
0x95: {  	s5 =	sld [smem:$0x3FFC];
	_ =	sdelay $0x3  }
0x96: {  	_ =	strace s5  }
0x97: {  	s5 =	sld [smem:$0x3FFD];
	_ =	sdelay $0x3  }
0x98: {  	_ =	strace s5  }
0x99: {  	_ =	strace $0x8FFFFFFF  }
0x9a: {  	s20 =	sld [smem:$0x3FDB];
	_ =	sdelay $0x1  }
0x9b: {  	s6 =	simm.s32 $_scs_section_size  }
0x9c: {  	s7 =	simm.s32 $_size__tile_overlayer_lowered;
	s8 =	simm.s32 $_tile_overlayer_lowered  }
0x9d: {  	s23 =	simm.s32 $0x1BFF;
	s22 =	sshll.u32 s8, $0x1;
	s5 =	sadd.s32 s6, s20  }
0x9e: {  	s9 =	simm.s32 $0x0;
	s21 =	sshll.u32 s7, $0x1;
	s7 =	sadd.s32 s22, s5  }
0x9f: {  	[timem:s9], [sflag:s23] =	dma.local [hbm:s7], s21  }
0xa0: {  	_ =	swait.ge [sflag:s23], s21  }
0xa1: {  	s6 =	ssub.s32 $0x0, s21;
	[sflag:s23] =	ssyncset.done $0x0  }
0xa2: {  	[sflag:s23] =	ssyncadd.s32 s6;
	_ =	sdelay $0x1  }
0xa3: {  	s24 =	simm.s32 $0x1B8B  }
0xa4: {  	_ =	swait.ge [sflag:s24], $0x1  }
0xa5: {  	[sflag:s24] =	ssyncset.done $0x0  }
0xa6: {  	s25 =	simm.s32 $0x1B8E;
	[sflag:s24] =	ssyncadd.s32 $0xFFFFFFFF  }
0xa7: {  	s26 =	simm.s32 $execute0_lowered;
	[smem:$0x3FD2] =	sst s25  }
0xa8: {  	s6 =	sshll.u32 s26, $0x1;
	_ =	strace $0x80000046;
	[dreg:$0x1] =	wrdreg $0xFFFFFFFF  }
0xa9: {  	s28 =	simm.s32 $_size_execute0_lowered;
	s5 =	sadd.s32 s5, s6;
	[dreg:$0x0] =	wrdreg $0x0  }
0xaa: {  	s6 =	sshll.u32 s28, $0x1;
	[dreg:$0x2] =	wrdreg s5  }
0xab: {  	[dreg:$0x3] =	wrdreg s6  }
0xac: {  	[dreg:$0x4] =	wrdreg $0xC0  }
0xad: {  	_ =	task [dreg:s9], $0x5FFFF  }
0xae: {  	[dreg:$0x1] =	wrdreg $0xFFFFFFFF  }
0xaf: {  	[dreg:$0x0] =	wrdreg $0x60  }
0xb0: {  	[dreg:$0x2] =	wrdreg s19  }
0xb1: {  	[dreg:$0x3] =	wrdreg s2  }
0xb2: {  	[dreg:$0x4] =	wrdreg s4  }
0xb3: {  	[dreg:$0x5] =	wrdreg $0xC4000  }
0xb4: {  	[dreg:$0x6] =	wrdreg $0x9  }
0xb5: {  	_ =	task.clear_ibuf [dreg:s9], $0x7FFFF;
	_ =	strace $0x90000046  }
0xb6: {  	s29 =	simm.s32 $0x9;
	_ =	strace $0x80000048  }
0xb7: {  	_ =	swait.ge [sflag:s29], $0x1  }
0xb8: {  	[sflag:s29] =	ssyncadd.s32 $0xFFFFFFFF  }
0xb9: {  	_ =	strace $0x90000048  }
0xba: {  	_ =	sfence  }
0xbb: {  	s30 =	sld [smem:$0x0];
	_ =	sdelay $0x2  }
0xbc: {  	s31 =	sshll.u32 s1, $0xD;
	s1 =	sshrl.u32 s1, $0x2  }
0xbd: {  	s3 =	sand.u32 $0x4000, s31;
	s1 =	sadd.s32 s1, s30  }
0xbe: {  	s0 =	sor.u32 s3, s0;
	s1 =	sshll.u32 s1, $0x11  }
0xbf: {  	s0 =	sor.u32 s1, s0  }
0xc0: {  	s0 =	sadd.s32 $0x8F2B, s0  }
0xc1: {  	[sflag:s0] =	ssyncadd.remote.s32 $0x1  }
0xc2: {  	_ =	sfence.sel $0xFFFF  }
0xc3: {  	[dreg:$0x0] =	wrdreg $0xFFFFFFFF;
	(pc) =	sbr.abs _section_cstart, $3  }
0xc4: {  	[dreg:$0x1] =	wrdreg $0xFFFFFFFF  }
0xc5: {  	_ =	task.clear_ibuf [dreg:s9], $0x2FFFF;
	_ =	strace $0x9FFFFFFF  }
0xc6: {  	(tm) =	ssettm $0x7FFFFFFF  }
0xc7: {  	_ =	shalt  }
tec
execute0_lowered:
.L_overlay_start_1:
0x0: {  	(tag) =	ssettag $0x1  }
0x1: {  	s1 =	rddreg [dreg:$0x0]  }
0x2: {  	s5 =	rddreg [dreg:$0x1]  }
0x3: {  	s17 =	rddreg [dreg:$0x2]  }
0x4: {  	s3 =	rddreg [dreg:$0x3];
	s4 =	simm.s32 $0x0;
	s6 =	srdreg.scid  }
0x5: {  	s2 =	stileid.u32;
	s10 =	simm.s32 $0x4;
	[smem:$0x7FF] =	sst s4  }
0x6: {  	s31 =	sand.u32 $0x1, s6;
	s23 =	sshll.u32 s2, $0x1;
	s18 =	sshrl.u32 s2, $0x2  }
0x7: {  	s7 =	sshll.u32 s2, $0x10;
	s8 =	sshll.u32 s2, $0xD;
	s25 =	sshll.u32 s2, $0x6  }
0x8: {  	_ =	strace $0x80000047;
	s6 =	sand.u32 $0x6, s23;
	s7 =	sadd.s32 s7, s3  }
0x9: {  	s24 =	sadd.s32 s1, s8;
	s26 =	sshll.u32 s18, $0x4;
	s19 =	sor.u32 s31, s6  }
0xa: {  	[dreg:$0x5] =	wrdreg s24;
	s8 =	sadd.s32 s5, s26;
	s5 =	sor.u32 $0x1C03, s25  }
0xb: {  	s7 =	sshrl.u32 s7, $0x3;
	s9 =	sshll.u32 s19, $0x9;
	s11 =	rddreg [dreg:$0x5]  }
0xc: {  	s6 =	sadd.s32 s9, s8;
	s8 =	simm.s32 $0x80;
	s9 =	simm.s32 $0x200  }
0xd: {  	[spmem:s7], [sflag:s5] =	dma.local [hbm:s11], $0x2000  }
0xe: {  	[tilespmem:s4], [sflag:$0x4] =	stream.strided.gather [hbm4b:s6+s8], $0x400, s9, s8, $0x38;
	[tilespmem:$0x1C400] =	vst v63  }
0xf: {  	_ =	swait.ge [sflag:s10], $0x400  }
0x10: {  	[sflag:s10] =	ssyncset.done $0x0  }
0x11: {  	s11 =	simm.s32 $0x400;
	[sflag:s10] =	ssyncadd.s32 $0xFFFFFC00  }
0x12: {  	[tilespmem:s11], [sflag:$0x1] =	stream.indirect.gather [hbm4b:s1+s8], $0x80, s4, s8, $0xb8;
	[tilespmem:$0x1C400] =	vst v63  }
0x13: {  	s12 =	simm.s32 $0x4400;
	s13 =	simm.s32 $0x3  }
0x14: {  	[tilespmem:s12], [sflag:$0x1] =	stream.indirect.gather [hbm4b:s1+s8], $0x80, s8, s8, $0xb8;
	[tilespmem:$0x1C400] =	vst v63  }
0x15: {  	_ =	swait.ge [sflag:s13], $0x2000  }
0x16: {  	[sflag:s13] =	ssyncset.done $0x0  }
0x17: {  	s14 =	simm.s32 $0x100;
	[sflag:s13] =	ssyncadd.s32 $0xFFFFE000  }
0x18: {  	s15 =	simm.s32 $0x8400;
	s16 =	simm.s32 $0x1;
	[bflag:$0x0] =	sbarrier.arrive $0xFFFF  }
0x19: {  	[tilespmem:s15], [sflag:$0x1] =	stream.indirect.gather [spmem:s3], $0x80, s14, s8, $0xb8;
	[tilespmem:$0x1C400] =	vst v63  }
0x1a: {  	s18 =	sshll.u32 s18, $0x11;
	s19 =	sshll.u32 s19, $0xE;
	_ =	swait.ge [sflag:s16], $0x4000  }
0x1b: {  	s18 =	sor.u32 s18, s19;
	[sflag:s16] =	ssyncset.done $0x0  }
0x1c: {  	s17 =	sadd.s32 s17, s18;
	[sflag:s16] =	ssyncadd.s32 $0xFFFFC000  }
0x1d: {  	[hbm4b:s17+s4] =	stream.linear.scatter [tilespmem:s11], [sflag:$0x2], $0x4000, $0x38;
	[tilespmem:$0x1C400] =	vst v63  }
0x1e: {  	_ =	swait.ge [sflag:s16], $0x4000  }
0x1f: {  	[sflag:s16] =	ssyncset.done $0x0  }
0x20: {  	s18 =	sadd.s32 $0x800, s17;
	[sflag:s16] =	ssyncadd.s32 $0xFFFFC000  }
0x21: {  	[hbm4b:s18+s4] =	stream.linear.scatter [tilespmem:s12], [sflag:$0x2], $0x4000, $0x38;
	[tilespmem:$0x1C400] =	vst v63  }
0x22: {  	_ =	swait.ge [sflag:s16], $0x4000  }
0x23: {  	[sflag:s16] =	ssyncset.done $0x0  }
0x24: {  	s19 =	simm.s32 $0x2;
	s20 =	sadd.s32 $0x1000, s17;
	[sflag:s16] =	ssyncadd.s32 $0xFFFFC000  }
0x25: {  	[hbm4b:s20+s4] =	stream.linear.scatter [tilespmem:s15], [sflag:$0x2], $0x4000, $0x38;
	[tilespmem:$0x1C400] =	vst v63  }
0x26: {  	_ =	swait.ge [sflag:s19], $0x4000  }
0x27: {  	[sflag:s19] =	ssyncset.done $0x0  }
0x28: {  	s21 =	simm.s32 $0x180;
	[sflag:s19] =	ssyncadd.s32 $0xFFFFC000  }
0x29: {  	[tilespmem:s11], [sflag:$0x1] =	stream.indirect.gather [spmem:s3], $0x80, s21, s8, $0xb8;
	[tilespmem:$0x1C400] =	vst v63  }
0x2a: {  	_ =	swait.ge [sflag:s16], $0x4000  }
0x2b: {  	[sflag:s16] =	ssyncset.done $0x0  }
0x2c: {  	s22 =	sadd.s32 $0x1800, s17;
	[sflag:s16] =	ssyncadd.s32 $0xFFFFC000  }
0x2d: {  	[hbm4b:s22+s4] =	stream.linear.scatter [tilespmem:s11], [sflag:$0x2], $0x4000, $0x38;
	[tilespmem:$0x1C400] =	vst v63  }
0x2e: {  	_ =	swait.ge [sflag:s19], $0x4000  }
0x2f: {  	[sflag:s19] =	ssyncset.done $0x0  }
0x30: {  	[sflag:s19] =	ssyncadd.s32 $0xFFFFC000  }
0x31: {  	[tilespmem:s12], [sflag:$0x1] =	stream.indirect.gather [spmem:s3], $0x80, s9, s8, $0xb8;
	[tilespmem:$0x1C400] =	vst v63  }
0x32: {  	_ =	swait.ge [sflag:s16], $0x4000  }
0x33: {  	[sflag:s16] =	ssyncset.done $0x0  }
0x34: {  	s23 =	sadd.s32 $0x2000, s17;
	[sflag:s16] =	ssyncadd.s32 $0xFFFFC000  }
0x35: {  	[hbm4b:s23+s4] =	stream.linear.scatter [tilespmem:s12], [sflag:$0x2], $0x4000, $0x38;
	[tilespmem:$0x1C400] =	vst v63  }
0x36: {  	_ =	swait.ge [sflag:s19], $0x4000  }
0x37: {  	[sflag:s19] =	ssyncset.done $0x0  }
0x38: {  	s24 =	simm.s32 $0x280;
	[sflag:s19] =	ssyncadd.s32 $0xFFFFC000  }
0x39: {  	[tilespmem:s15], [sflag:$0x1] =	stream.indirect.gather [spmem:s3], $0x80, s24, s8, $0xb8;
	[tilespmem:$0x1C400] =	vst v63  }
0x3a: {  	_ =	swait.ge [sflag:s16], $0x4000  }
0x3b: {  	[sflag:s16] =	ssyncset.done $0x0  }
0x3c: {  	s25 =	sadd.s32 $0x2800, s17;
	[sflag:s16] =	ssyncadd.s32 $0xFFFFC000  }
0x3d: {  	[hbm4b:s25+s4] =	stream.linear.scatter [tilespmem:s15], [sflag:$0x2], $0x4000, $0x38;
	[tilespmem:$0x1C400] =	vst v63  }
0x3e: {  	_ =	swait.ge [sflag:s19], $0x4000  }
0x3f: {  	[sflag:s19] =	ssyncset.done $0x0  }
0x40: {  	s26 =	simm.s32 $0x300;
	[sflag:s19] =	ssyncadd.s32 $0xFFFFC000  }
0x41: {  	[tilespmem:s11], [sflag:$0x1] =	stream.indirect.gather [spmem:s3], $0x80, s26, s8, $0xb8;
	[tilespmem:$0x1C400] =	vst v63  }
0x42: {  	_ =	swait.ge [sflag:s16], $0x4000  }
0x43: {  	[sflag:s16] =	ssyncset.done $0x0  }
0x44: {  	s28 =	sadd.s32 $0x3000, s17;
	[sflag:s16] =	ssyncadd.s32 $0xFFFFC000  }
0x45: {  	[hbm4b:s28+s4] =	stream.linear.scatter [tilespmem:s11], [sflag:$0x2], $0x4000, $0x38;
	[tilespmem:$0x1C400] =	vst v63  }
0x46: {  	_ =	swait.ge [sflag:s19], $0x4000  }
0x47: {  	[sflag:s19] =	ssyncset.done $0x0  }
0x48: {  	s29 =	simm.s32 $0x380;
	[sflag:s19] =	ssyncadd.s32 $0xFFFFC000  }
0x49: {  	[tilespmem:s12], [sflag:$0x1] =	stream.indirect.gather [spmem:s3], $0x80, s29, s8, $0xb8;
	[tilespmem:$0x1C400] =	vst v63  }
0x4a: {  	s31 =	ssub.s32 $0x2, s31;
	_ =	swait.ge [sflag:s16], $0x4000  }
0x4b: {  	s0 =	sshrl.u32 s31, $0x1;
	[sflag:s16] =	ssyncset.done $0x0  }
0x4c: {  	s0 =	ssub.s32 s31, s0;
	s30 =	sadd.s32 $0x3800, s17;
	[sflag:s16] =	ssyncadd.s32 $0xFFFFC000  }
0x4d: {  	[hbm4b:s30+s4] =	stream.linear.scatter [tilespmem:s12], [sflag:$0x2], $0x4000, $0x38;
	[tilespmem:$0x1C400] =	vst v63  }
0x4e: {  	s0 =	smax.u32 s0, $0x1;
	_ =	swait.ge [sflag:s19], $0x4000  }
0x4f: {  	p0 =	sne.s32 s0, $0x1;
	[sflag:s19] =	ssyncset.done $0x0  }
.Ltmp0:
0x50: {  	[sflag:s19] =	ssyncadd.s32 $0xFFFFC000;
	(pc) =	sbr.rel @!p0 .LBB2_2-.Ltmp0, $4  }
0x51: {  	_ =	swait.ge [sflag:s19], $0x4000  }
0x52: {  	[sflag:s19] =	ssyncset.done $0x0  }
0x53: {  	[sflag:s19] =	ssyncadd.s32 $0xFFFFC000  }
0x54: {  	s31 =	sadd.s32 $0xFFFFFFFF, s0;
	_ =	swait.ge [sflag:s19], $0x4000  }
.LBB2_1:
0x55: {  	[sflag:s19] =	ssyncset.done $0x0  }
0x56: {  	s0 =	rddreg [dreg:$0x5];
	[sflag:s19] =	ssyncadd.s32 $0xFFFFC000  }
0x57: {  	[spmem:s7], [sflag:s5] =	dma.local [hbm:s0], $0x2000  }
0x58: {  	[tilespmem:s4], [sflag:$0x4] =	stream.strided.gather [hbm4b:s6+s8], $0x400, s9, s8, $0x38;
	[tilespmem:$0x1C400] =	vst v63  }
0x59: {  	_ =	swait.ge [sflag:s10], $0x400  }
0x5a: {  	[sflag:s10] =	ssyncset.done $0x0  }
0x5b: {  	[sflag:s10] =	ssyncadd.s32 $0xFFFFFC00  }
0x5c: {  	[tilespmem:s11], [sflag:$0x1] =	stream.indirect.gather [hbm4b:s1+s8], $0x80, s4, s8, $0xb8;
	[tilespmem:$0x1C400] =	vst v63  }
0x5d: {  	_ = 	snop  }
0x5e: {  	[tilespmem:s12], [sflag:$0x1] =	stream.indirect.gather [hbm4b:s1+s8], $0x80, s8, s8, $0xb8;
	[tilespmem:$0x1C400] =	vst v63  }
0x5f: {  	_ =	swait.ge [sflag:s13], $0x2000  }
0x60: {  	[sflag:s13] =	ssyncset.done $0x0  }
0x61: {  	[sflag:s13] =	ssyncadd.s32 $0xFFFFE000  }
0x62: {  	[bflag:$0x0] =	sbarrier.arrive $0xFFFF  }
0x63: {  	[tilespmem:s15], [sflag:$0x1] =	stream.indirect.gather [spmem:s3], $0x80, s14, s8, $0xb8;
	[tilespmem:$0x1C400] =	vst v63  }
0x64: {  	_ =	swait.ge [sflag:s16], $0x4000  }
0x65: {  	[sflag:s16] =	ssyncset.done $0x0  }
0x66: {  	[sflag:s16] =	ssyncadd.s32 $0xFFFFC000  }
0x67: {  	[hbm4b:s17+s4] =	stream.linear.scatter [tilespmem:s11], [sflag:$0x2], $0x4000, $0x38;
	[tilespmem:$0x1C400] =	vst v63  }
0x68: {  	_ =	swait.ge [sflag:s16], $0x4000  }
0x69: {  	[sflag:s16] =	ssyncset.done $0x0  }
0x6a: {  	[sflag:s16] =	ssyncadd.s32 $0xFFFFC000  }
0x6b: {  	[hbm4b:s18+s4] =	stream.linear.scatter [tilespmem:s12], [sflag:$0x2], $0x4000, $0x38;
	[tilespmem:$0x1C400] =	vst v63  }
0x6c: {  	_ =	swait.ge [sflag:s16], $0x4000  }
0x6d: {  	[sflag:s16] =	ssyncset.done $0x0  }
0x6e: {  	[sflag:s16] =	ssyncadd.s32 $0xFFFFC000  }
0x6f: {  	[hbm4b:s20+s4] =	stream.linear.scatter [tilespmem:s15], [sflag:$0x2], $0x4000, $0x38;
	[tilespmem:$0x1C400] =	vst v63  }
0x70: {  	_ =	swait.ge [sflag:s19], $0x4000  }
0x71: {  	[sflag:s19] =	ssyncset.done $0x0  }
0x72: {  	[sflag:s19] =	ssyncadd.s32 $0xFFFFC000  }
0x73: {  	[tilespmem:s11], [sflag:$0x1] =	stream.indirect.gather [spmem:s3], $0x80, s21, s8, $0xb8;
	[tilespmem:$0x1C400] =	vst v63  }
0x74: {  	_ =	swait.ge [sflag:s16], $0x4000  }
0x75: {  	[sflag:s16] =	ssyncset.done $0x0  }
0x76: {  	[sflag:s16] =	ssyncadd.s32 $0xFFFFC000  }
0x77: {  	[hbm4b:s22+s4] =	stream.linear.scatter [tilespmem:s11], [sflag:$0x2], $0x4000, $0x38;
	[tilespmem:$0x1C400] =	vst v63  }
0x78: {  	_ =	swait.ge [sflag:s19], $0x4000  }
0x79: {  	[sflag:s19] =	ssyncset.done $0x0  }
0x7a: {  	[sflag:s19] =	ssyncadd.s32 $0xFFFFC000  }
0x7b: {  	[tilespmem:s12], [sflag:$0x1] =	stream.indirect.gather [spmem:s3], $0x80, s9, s8, $0xb8;
	[tilespmem:$0x1C400] =	vst v63  }
0x7c: {  	_ =	swait.ge [sflag:s16], $0x4000  }
0x7d: {  	[sflag:s16] =	ssyncset.done $0x0  }
0x7e: {  	[sflag:s16] =	ssyncadd.s32 $0xFFFFC000  }
0x7f: {  	[hbm4b:s23+s4] =	stream.linear.scatter [tilespmem:s12], [sflag:$0x2], $0x4000, $0x38;
	[tilespmem:$0x1C400] =	vst v63  }
0x80: {  	_ =	swait.ge [sflag:s19], $0x4000  }
0x81: {  	[sflag:s19] =	ssyncset.done $0x0  }
0x82: {  	[sflag:s19] =	ssyncadd.s32 $0xFFFFC000  }
0x83: {  	[tilespmem:s15], [sflag:$0x1] =	stream.indirect.gather [spmem:s3], $0x80, s24, s8, $0xb8;
	[tilespmem:$0x1C400] =	vst v63  }
0x84: {  	_ =	swait.ge [sflag:s16], $0x4000  }
0x85: {  	[sflag:s16] =	ssyncset.done $0x0  }
0x86: {  	[sflag:s16] =	ssyncadd.s32 $0xFFFFC000  }
0x87: {  	[hbm4b:s25+s4] =	stream.linear.scatter [tilespmem:s15], [sflag:$0x2], $0x4000, $0x38;
	[tilespmem:$0x1C400] =	vst v63  }
0x88: {  	_ =	swait.ge [sflag:s19], $0x4000  }
0x89: {  	[sflag:s19] =	ssyncset.done $0x0  }
0x8a: {  	[sflag:s19] =	ssyncadd.s32 $0xFFFFC000  }
0x8b: {  	[tilespmem:s11], [sflag:$0x1] =	stream.indirect.gather [spmem:s3], $0x80, s26, s8, $0xb8;
	[tilespmem:$0x1C400] =	vst v63  }
0x8c: {  	_ =	swait.ge [sflag:s16], $0x4000  }
0x8d: {  	[sflag:s16] =	ssyncset.done $0x0  }
0x8e: {  	[sflag:s16] =	ssyncadd.s32 $0xFFFFC000  }
0x8f: {  	[hbm4b:s28+s4] =	stream.linear.scatter [tilespmem:s11], [sflag:$0x2], $0x4000, $0x38;
	[tilespmem:$0x1C400] =	vst v63  }
0x90: {  	_ =	swait.ge [sflag:s19], $0x4000  }
0x91: {  	[sflag:s19] =	ssyncset.done $0x0  }
0x92: {  	[sflag:s19] =	ssyncadd.s32 $0xFFFFC000  }
0x93: {  	[tilespmem:s12], [sflag:$0x1] =	stream.indirect.gather [spmem:s3], $0x80, s29, s8, $0xb8;
	[tilespmem:$0x1C400] =	vst v63  }
0x94: {  	_ =	swait.ge [sflag:s16], $0x4000  }
0x95: {  	[sflag:s16] =	ssyncset.done $0x0  }
0x96: {  	[sflag:s16] =	ssyncadd.s32 $0xFFFFC000  }
0x97: {  	[hbm4b:s30+s4] =	stream.linear.scatter [tilespmem:s12], [sflag:$0x2], $0x4000, $0x38;
	[tilespmem:$0x1C400] =	vst v63  }
0x98: {  	_ =	swait.ge [sflag:s19], $0x4000  }
0x99: {  	p0 =	sne.s32 s31, $0x1;
	[sflag:s19] =	ssyncset.done $0x0  }
.Ltmp1:
0x9a: {  	[sflag:s19] =	ssyncadd.s32 $0xFFFFC000;
	(pc) =	sbr.rel @p0 .LBB2_1-.Ltmp1, $4  }
0x9b: {  	_ =	swait.ge [sflag:s19], $0x4000  }
0x9c: {  	[sflag:s19] =	ssyncset.done $0x0  }
0x9d: {  	[sflag:s19] =	ssyncadd.s32 $0xFFFFC000  }
0x9e: {  	s31 =	sadd.s32 $0xFFFFFFFF, s31;
	_ =	swait.ge [sflag:s19], $0x4000  }
.LBB2_2:
0x9f: {  	[sflag:s19] =	ssyncset.done $0x0  }
0xa0: {  	[sflag:s19] =	ssyncadd.s32 $0xFFFFC000  }
0xa1: {  	_ =	sfence.sel $0x180000  }
0xa2: {  	[bflag:$0x0] =	sbarrier.arrive $0xFFFF  }
0xa3: {  	_ =	strace $0x90000047  }
0xa4: {  	[bflag:$0x2] =	sbarrier.arrive $0xFFFF  }
0xa5: {  	p0 =	sne.s32 s2, $0x0;
	s0 =	rddreg [dreg:$0x4]  }
0xa6: {  	s0 =	sadd.s32 @!p0 $0x100000, s0  }
0xa7: {  	[sflag:s0] =	ssyncadd.tile.s32 @!p0 $0x1;
	_ =	shalt  }
.Lfunc_end2:
_tile_overlayer_lowered:
.L_overlay_start_2:
0xa8: {  	(tag) =	ssettag $0x2  }
0xa9: {  	s0 =	rddreg [dreg:$0x0];
	s2 =	stileid.u32  }
0xaa: {  	s1 =	rddreg [dreg:$0x1];
	p0 =	sne.s32 s2, $0x0  }
0xab: {  	s3 =	rddreg [dreg:$0x2];
	[bflag:$0x3] =	sbarrier.arrive $0xFFFF;
	s2 =	simm.s32 @!p0 $0x1C04  }
0xac: {  	[timem:s3], [sflag:s2] =	dma.local @!p0 [hbm:s0], s1  }
0xad: {  	s0 =	simm.s32 @!p0 $0x4  }
0xae: {  	_ =	swait.ge @!p0 [sflag:s0], s1  }
0xaf: {  	s1 =	ssub.s32 @!p0 $0x0, s1;
	[sflag:s0] =	ssyncset.done @!p0 $0x0  }
0xb0: {  	[sflag:s0] =	ssyncadd.s32 @!p0 s1  }
0xb1: {  	[bflag:$0x3] =	sbarrier.arrive $0xFFFF  }
0xb2: {  	_ =	shalt  }

</sc_bundles>
